<compile_context>
chip_gen: v7x
topology: tpu7x:2x2x1
jax: 0.10.2.dev20260603
libtpu: 0.0.44.dev20260713+nightly
codegen_flags: <defaults>
</compile_context>

<pallas_src>
import functools

import jax
import jax.numpy as jnp
from jax import lax
from jax.experimental import pallas as pl
from jax.experimental.pallas import tpu as pltpu
from jax.experimental.pallas import tpu_sc as plsc

LANE = 128
PAD = 128
CHUNK = 640


@functools.lru_cache(maxsize=None)
def _build(n_flat: int, d: int):
  info = plsc.get_sparse_core_info()
  nw = info.num_cores * info.num_subcores
  assert n_flat % (nw * CHUNK) == 0 and CHUNK % LANE == 0
  n_per_w = n_flat // nw
  n_chunk = n_per_w // CHUNK
  assert n_chunk % 2 == 0
  n_half = n_chunk // 2
  n_sub = CHUNK // LANE

  mesh = plsc.VectorSubcoreMesh(core_axis_name="c", subcore_axis_name="s")

  @functools.partial(
      pl.kernel,
      out_type=jax.ShapeDtypeStruct((n_flat, PAD), jnp.float32),
      mesh=mesh,
      scratch_types=[
          pltpu.VMEM((CHUNK,), jnp.int32),
          pltpu.VMEM((CHUNK,), jnp.int32),
          pltpu.VMEM((CHUNK, d), jnp.float32),
          pltpu.VMEM((CHUNK, d), jnp.float32),
          pltpu.SemaphoreType.DMA,
          pltpu.SemaphoreType.DMA,
          pltpu.SemaphoreType.DMA,
          pltpu.SemaphoreType.DMA,
      ],
      compiler_params=pltpu.CompilerParams(use_tc_tiling_on_sc=False),
  )
  def gather_kernel(table_hbm, idx_hbm, out_hbm,
                    idx0, idx1, rows0, rows1, sg0, sg1, so0, so1):
    wid = lax.axis_index("s") * info.num_cores + lax.axis_index("c")
    flat_base = wid * n_per_w
    idx_bufs = (idx0, idx1)
    row_bufs = (rows0, rows1)
    sgs = (sg0, sg1)
    sos = (so0, so1)

    def fire_gathers(c, buf):
      pltpu.sync_copy(idx_hbm.at[pl.ds(flat_base + c * CHUNK, CHUNK)],
                      idx_bufs[buf])
      for j in range(n_sub):
        pltpu.async_copy(
            table_hbm.at[idx_bufs[buf].at[pl.ds(j * LANE, LANE)]],
            row_bufs[buf].at[pl.ds(j * LANE, LANE)],
            sgs[buf],
        )

    def drain_gathers(buf):
      pltpu.make_async_copy(out_hbm.at[pl.ds(0, CHUNK), pl.ds(0, d)],
                            row_bufs[buf], sgs[buf]).wait()

    def fire_wb(c, buf):
      pltpu.async_copy(
          row_bufs[buf],
          out_hbm.at[pl.ds(flat_base + c * CHUNK, CHUNK), pl.ds(0, d)],
          sos[buf])

    def drain_wb(buf):
      pltpu.make_async_copy(row_bufs[buf],
                            out_hbm.at[pl.ds(0, CHUNK), pl.ds(0, d)],
                            sos[buf]).wait()

    fire_gathers(0, 0)

    def body(i, carry):
      c0 = 2 * i

      @pl.when(i > 0)
      def _():
        drain_wb(1)

      fire_gathers(c0 + 1, 1)
      drain_gathers(0)
      fire_wb(c0, 0)

      drain_wb(0)

      @pl.when(i < n_half - 1)
      def _():
        fire_gathers(c0 + 2, 0)

      drain_gathers(1)
      fire_wb(c0 + 1, 1)
      return carry

    lax.fori_loop(0, n_half, body, 0)
    drain_wb(1)

  return gather_kernel


def kernel(item_feat_index, emb_table):
  batch, hist = item_feat_index.shape
  _, d = emb_table.shape
  idx = item_feat_index
  if idx.dtype != jnp.int32:
    idx = idx.astype(jnp.int32)
  idx_flat = idx.T.reshape(-1)
  padded = _build(batch * hist, d)(emb_table, idx_flat)
  return padded.reshape(hist, batch, PAD)[:, :, :d].transpose(1, 0, 2)

# --- scband reference (transcript-rebuilt; emitter-appended) ---
"""Pipeline reference for scband-item-feat-no-add-feat-73332271612530 (READ-ONLY COPY).

The authoritative reference and input builder live on the scoring server;
editing this copy changes nothing except your own understanding.
"""

import jax, jax.numpy as jnp
import numpy as np

ITEM_NUM = 1000000
EMBED_DIM = 64
BATCH = 4096
HIST_LEN = 200

def setup_inputs(seed: int = 0) -> dict:
    key = jax.random.key(seed)
    k_idx, k_tab = jax.random.split(key)
    item_feat_index = jax.random.randint(k_idx, (BATCH, HIST_LEN), 0, ITEM_NUM, dtype=jnp.int64 if jax.config.jax_enable_x64 else jnp.int32)
    emb_table = jax.random.normal(k_tab, (ITEM_NUM, EMBED_DIM), dtype=jnp.float32)
    return {"item_feat_index": item_feat_index, "emb_table": emb_table}

def reference(item_feat_index, emb_table):
    # nn.Embedding lookup: table[idx]
    return jnp.take(emb_table, item_feat_index, axis=0)

if __name__ == "__main__":
    import jax
    _d = setup_inputs()
    print(jax.jit(kernel)(*tuple(_d.values())))

</pallas_src>

<mosaic_0001>
#map = affine_map<(d0, d1) -> (0, 0)>
#map1 = affine_map<(d0, d1) -> (0)>
module attributes {stable_mosaic.version = 14 : i64} {
  func.func @gather_kernel(%arg0: i32, %arg1: i32, %arg2: memref<1000000x64xf32, #tpu.memory_space<hbm>>, %arg3: memref<819200xi32, #tpu.memory_space<hbm>>, %arg4: memref<819200x128xf32, #tpu.memory_space<hbm>>, %arg5: memref<640xi32, #tpu.memory_space<vmem>>, %arg6: memref<640xi32, #tpu.memory_space<vmem>>, %arg7: memref<640x64xf32, #tpu.memory_space<vmem>>, %arg8: memref<640x64xf32, #tpu.memory_space<vmem>>, %arg9: memref<!tpu.dma_semaphore, #tpu.memory_space<semaphore_mem>>, %arg10: memref<!tpu.dma_semaphore, #tpu.memory_space<semaphore_mem>>, %arg11: memref<!tpu.dma_semaphore, #tpu.memory_space<semaphore_mem>>, %arg12: memref<!tpu.dma_semaphore, #tpu.memory_space<semaphore_mem>>) attributes {dimension_semantics = [#tpu.dimension_semantics<core_parallel>, #tpu.dimension_semantics<subcore_parallel>], iteration_bounds = array<i64: 2, 16>, scalar_prefetch = 0 : i64, scratch_operands = 8 : i64, tpu.core_type = #tpu.core_type<sc_vector_subcore>, window_params = [{transform_indices = #map}, {transform_indices = #map1}, {transform_indices = #map}]} {
    %mul3A = arith.constant 2 : i32
    %mul3A_0 = arith.muli %arg1, %mul3A : i32
    %add3A = arith.addi %mul3A_0, %arg0 : i32
    %mul3A_1 = arith.constant 25600 : i32
    %mul3A_2 = arith.muli %add3A, %mul3A_1 : i32
    %add3A_3 = arith.constant 0 : i32
    %add3A_4 = arith.addi %mul3A_2, %add3A_3 : i32
    "tpu.region"() ({
      %run_scoped3A = tpu.sem_alloc : memref<!tpu.dma_semaphore, #tpu.memory_space<semaphore_mem>>
      %dma_start3A_54 = tpu.memref_slice %arg3[%add3A_4] : memref<819200xi32, #tpu.memory_space<hbm>> -> memref<640xi32, #tpu.memory_space<hbm>>
      %dma_start3A_55 = tpu.memref_slice %arg3[%add3A_4] : memref<819200xi32, #tpu.memory_space<hbm>> -> memref<640xi32, #tpu.memory_space<hbm>>
      tpu.enqueue_dma source(%dma_start3A_55 : memref<640xi32, #tpu.memory_space<hbm>>) target(%arg5 : memref<640xi32, #tpu.memory_space<vmem>>) target_semaphore(%run_scoped3A : memref<!tpu.dma_semaphore, #tpu.memory_space<semaphore_mem>>)
      %dma_wait3A_56 = tpu.memref_slice %arg3[%add3A_4] : memref<819200xi32, #tpu.memory_space<hbm>> -> memref<640xi32, #tpu.memory_space<hbm>>
      %dma_wait3A_57 = tpu.memref_slice %arg3[%add3A_4] : memref<819200xi32, #tpu.memory_space<hbm>> -> memref<640xi32, #tpu.memory_space<hbm>>
      tpu.wait_dma2 semaphore(%run_scoped3A : memref<!tpu.dma_semaphore, #tpu.memory_space<semaphore_mem>>) src(%dma_wait3A_57 : memref<640xi32, #tpu.memory_space<hbm>>) dst(%arg5 : memref<640xi32, #tpu.memory_space<vmem>>)
      tpu.yield
    }) : () -> ()
    %dma_start3A = arith.constant 0 : i32
    %dma_start3A_5 = arith.constant 0 : i32
    %dma_start3A_6 = tpu.memref_slice %arg7[%dma_start3A, %dma_start3A_5] : memref<640x64xf32, #tpu.memory_space<vmem>> -> memref<128x64xf32, #tpu.memory_space<vmem>>
    %dma_start3A_7 = arith.constant 0 : i32
    %dma_start3A_8 = tpu.memref_slice %arg5[%dma_start3A_7] : memref<640xi32, #tpu.memory_space<vmem>> -> memref<128xi32, #tpu.memory_space<vmem>>
    %dma_start3A_9 = arith.constant 0 : i32
    %dma_start3A_10 = arith.constant 0 : i32
    %dma_start3A_11 = tpu.memref_slice %arg2[%dma_start3A_9, %dma_start3A_10] : memref<1000000x64xf32, #tpu.memory_space<hbm>> -> memref<1000000x64xf32, #tpu.memory_space<hbm>>
    tpu.enqueue_indirect_dma source(%dma_start3A_11 : memref<1000000x64xf32, #tpu.memory_space<hbm>>) target(%dma_start3A_6 : memref<128x64xf32, #tpu.memory_space<vmem>>) offsets(%dma_start3A_8 : memref<128xi32, #tpu.memory_space<vmem>>) semaphore(%arg9 : memref<!tpu.dma_semaphore, #tpu.memory_space<semaphore_mem>>)
    %dma_start3A_12 = arith.constant 128 : i32
    %dma_start3A_13 = arith.constant 0 : i32
    %dma_start3A_14 = tpu.memref_slice %arg7[%dma_start3A_12, %dma_start3A_13] : memref<640x64xf32, #tpu.memory_space<vmem>> -> memref<128x64xf32, #tpu.memory_space<vmem>>
    %dma_start3A_15 = arith.constant 128 : i32
    %dma_start3A_16 = tpu.memref_slice %arg5[%dma_start3A_15] : memref<640xi32, #tpu.memory_space<vmem>> -> memref<128xi32, #tpu.memory_space<vmem>>
    %dma_start3A_17 = arith.constant 0 : i32
    %dma_start3A_18 = arith.constant 0 : i32
    %dma_start3A_19 = tpu.memref_slice %arg2[%dma_start3A_17, %dma_start3A_18] : memref<1000000x64xf32, #tpu.memory_space<hbm>> -> memref<1000000x64xf32, #tpu.memory_space<hbm>>
    tpu.enqueue_indirect_dma source(%dma_start3A_19 : memref<1000000x64xf32, #tpu.memory_space<hbm>>) target(%dma_start3A_14 : memref<128x64xf32, #tpu.memory_space<vmem>>) offsets(%dma_start3A_16 : memref<128xi32, #tpu.memory_space<vmem>>) semaphore(%arg9 : memref<!tpu.dma_semaphore, #tpu.memory_space<semaphore_mem>>)
    %dma_start3A_20 = arith.constant 256 : i32
    %dma_start3A_21 = arith.constant 0 : i32
    %dma_start3A_22 = tpu.memref_slice %arg7[%dma_start3A_20, %dma_start3A_21] : memref<640x64xf32, #tpu.memory_space<vmem>> -> memref<128x64xf32, #tpu.memory_space<vmem>>
    %dma_start3A_23 = arith.constant 256 : i32
    %dma_start3A_24 = tpu.memref_slice %arg5[%dma_start3A_23] : memref<640xi32, #tpu.memory_space<vmem>> -> memref<128xi32, #tpu.memory_space<vmem>>
    %dma_start3A_25 = arith.constant 0 : i32
    %dma_start3A_26 = arith.constant 0 : i32
    %dma_start3A_27 = tpu.memref_slice %arg2[%dma_start3A_25, %dma_start3A_26] : memref<1000000x64xf32, #tpu.memory_space<hbm>> -> memref<1000000x64xf32, #tpu.memory_space<hbm>>
    tpu.enqueue_indirect_dma source(%dma_start3A_27 : memref<1000000x64xf32, #tpu.memory_space<hbm>>) target(%dma_start3A_22 : memref<128x64xf32, #tpu.memory_space<vmem>>) offsets(%dma_start3A_24 : memref<128xi32, #tpu.memory_space<vmem>>) semaphore(%arg9 : memref<!tpu.dma_semaphore, #tpu.memory_space<semaphore_mem>>)
    %dma_start3A_28 = arith.constant 384 : i32
    %dma_start3A_29 = arith.constant 0 : i32
    %dma_start3A_30 = tpu.memref_slice %arg7[%dma_start3A_28, %dma_start3A_29] : memref<640x64xf32, #tpu.memory_space<vmem>> -> memref<128x64xf32, #tpu.memory_space<vmem>>
    %dma_start3A_31 = arith.constant 384 : i32
    %dma_start3A_32 = tpu.memref_slice %arg5[%dma_start3A_31] : memref<640xi32, #tpu.memory_space<vmem>> -> memref<128xi32, #tpu.memory_space<vmem>>
    %dma_start3A_33 = arith.constant 0 : i32
    %dma_start3A_34 = arith.constant 0 : i32
    %dma_start3A_35 = tpu.memref_slice %arg2[%dma_start3A_33, %dma_start3A_34] : memref<1000000x64xf32, #tpu.memory_space<hbm>> -> memref<1000000x64xf32, #tpu.memory_space<hbm>>
    tpu.enqueue_indirect_dma source(%dma_start3A_35 : memref<1000000x64xf32, #tpu.memory_space<hbm>>) target(%dma_start3A_30 : memref<128x64xf32, #tpu.memory_space<vmem>>) offsets(%dma_start3A_32 : memref<128xi32, #tpu.memory_space<vmem>>) semaphore(%arg9 : memref<!tpu.dma_semaphore, #tpu.memory_space<semaphore_mem>>)
    %dma_start3A_36 = arith.constant 512 : i32
    %dma_start3A_37 = arith.constant 0 : i32
    %dma_start3A_38 = tpu.memref_slice %arg7[%dma_start3A_36, %dma_start3A_37] : memref<640x64xf32, #tpu.memory_space<vmem>> -> memref<128x64xf32, #tpu.memory_space<vmem>>
    %dma_start3A_39 = arith.constant 512 : i32
    %dma_start3A_40 = tpu.memref_slice %arg5[%dma_start3A_39] : memref<640xi32, #tpu.memory_space<vmem>> -> memref<128xi32, #tpu.memory_space<vmem>>
    %dma_start3A_41 = arith.constant 0 : i32
    %dma_start3A_42 = arith.constant 0 : i32
    %dma_start3A_43 = tpu.memref_slice %arg2[%dma_start3A_41, %dma_start3A_42] : memref<1000000x64xf32, #tpu.memory_space<hbm>> -> memref<1000000x64xf32, #tpu.memory_space<hbm>>
    tpu.enqueue_indirect_dma source(%dma_start3A_43 : memref<1000000x64xf32, #tpu.memory_space<hbm>>) target(%dma_start3A_38 : memref<128x64xf32, #tpu.memory_space<vmem>>) offsets(%dma_start3A_40 : memref<128xi32, #tpu.memory_space<vmem>>) semaphore(%arg9 : memref<!tpu.dma_semaphore, #tpu.memory_space<semaphore_mem>>)
    %scan3A = arith.constant 0 : i32
    %scan3A_44 = arith.constant 0 : i32
    %scan3A_45 = arith.constant 20 : i32
    %scan3A_46 = arith.addi %scan3A_44, %scan3A_45 : i32
    %scan3A_47 = arith.constant 1 : i32
    scf.for %scan3A_54 = %scan3A_44 to %scan3A_46 step %scan3A_47  : i32 {
      %mul3A_55 = arith.constant 2 : i32
      %mul3A_56 = arith.muli %mul3A_55, %scan3A_54 : i32
      %gt3A = arith.constant 0 : i32
      %gt3A_57 = arith.cmpi sgt, %scan3A_54, %gt3A : i32
      %convert_element_type3A = arith.extui %gt3A_57 : i1 to i32
      %cond3A = arith.constant 0 : i32
      %cond3A_58 = arith.cmpi ne, %convert_element_type3A, %cond3A : i32
      scf.if %cond3A_58 {
        %dma_wait3A_142 = arith.constant 0 : i32
        %dma_wait3A_143 = arith.constant 0 : i32
        %dma_wait3A_144 = tpu.memref_slice %arg4[%dma_wait3A_142, %dma_wait3A_143] : memref<819200x128xf32, #tpu.memory_space<hbm>> -> memref<640x64xf32, #tpu.memory_space<hbm>>
        %dma_wait3A_145 = arith.constant 0 : i32
        %dma_wait3A_146 = arith.constant 0 : i32
        %dma_wait3A_147 = tpu.memref_slice %arg4[%dma_wait3A_145, %dma_wait3A_146] : memref<819200x128xf32, #tpu.memory_space<hbm>> -> memref<640x64xf32, #tpu.memory_space<hbm>>
        tpu.wait_dma2 semaphore(%arg12 : memref<!tpu.dma_semaphore, #tpu.memory_space<semaphore_mem>>) src(%arg8 : memref<640x64xf32, #tpu.memory_space<vmem>>) dst(%dma_wait3A_147 : memref<640x64xf32, #tpu.memory_space<hbm>>)
      } else {
      }
      %add3A_59 = arith.constant 1 : i32
      %add3A_60 = arith.addi %mul3A_56, %add3A_59 : i32
      %mul3A_61 = arith.constant 640 : i32
      %mul3A_62 = arith.muli %add3A_60, %mul3A_61 : i32
      %add3A_63 = arith.addi %mul3A_2, %mul3A_62 : i32
      "tpu.region"() ({
        %run_scoped3A = tpu.sem_alloc : memref<!tpu.dma_semaphore, #tpu.memory_space<semaphore_mem>>
        %dma_start3A_142 = tpu.memref_slice %arg3[%add3A_63] : memref<819200xi32, #tpu.memory_space<hbm>> -> memref<640xi32, #tpu.memory_space<hbm>>
        %dma_start3A_143 = tpu.memref_slice %arg3[%add3A_63] : memref<819200xi32, #tpu.memory_space<hbm>> -> memref<640xi32, #tpu.memory_space<hbm>>
        tpu.enqueue_dma source(%dma_start3A_143 : memref<640xi32, #tpu.memory_space<hbm>>) target(%arg6 : memref<640xi32, #tpu.memory_space<vmem>>) target_semaphore(%run_scoped3A : memref<!tpu.dma_semaphore, #tpu.memory_space<semaphore_mem>>)
        %dma_wait3A_144 = tpu.memref_slice %arg3[%add3A_63] : memref<819200xi32, #tpu.memory_space<hbm>> -> memref<640xi32, #tpu.memory_space<hbm>>
        %dma_wait3A_145 = tpu.memref_slice %arg3[%add3A_63] : memref<819200xi32, #tpu.memory_space<hbm>> -> memref<640xi32, #tpu.memory_space<hbm>>
        tpu.wait_dma2 semaphore(%run_scoped3A : memref<!tpu.dma_semaphore, #tpu.memory_space<semaphore_mem>>) src(%dma_wait3A_145 : memref<640xi32, #tpu.memory_space<hbm>>) dst(%arg6 : memref<640xi32, #tpu.memory_space<vmem>>)
        tpu.yield
      }) : () -> ()
      %dma_start3A_64 = arith.constant 0 : i32
      %dma_start3A_65 = arith.constant 0 : i32
      %dma_start3A_66 = tpu.memref_slice %arg8[%dma_start3A_64, %dma_start3A_65] : memref<640x64xf32, #tpu.memory_space<vmem>> -> memref<128x64xf32, #tpu.memory_space<vmem>>
      %dma_start3A_67 = arith.constant 0 : i32
      %dma_start3A_68 = tpu.memref_slice %arg6[%dma_start3A_67] : memref<640xi32, #tpu.memory_space<vmem>> -> memref<128xi32, #tpu.memory_space<vmem>>
      %dma_start3A_69 = arith.constant 0 : i32
      %dma_start3A_70 = arith.constant 0 : i32
      %dma_start3A_71 = tpu.memref_slice %arg2[%dma_start3A_69, %dma_start3A_70] : memref<1000000x64xf32, #tpu.memory_space<hbm>> -> memref<1000000x64xf32, #tpu.memory_space<hbm>>
      tpu.enqueue_indirect_dma source(%dma_start3A_71 : memref<1000000x64xf32, #tpu.memory_space<hbm>>) target(%dma_start3A_66 : memref<128x64xf32, #tpu.memory_space<vmem>>) offsets(%dma_start3A_68 : memref<128xi32, #tpu.memory_space<vmem>>) semaphore(%arg10 : memref<!tpu.dma_semaphore, #tpu.memory_space<semaphore_mem>>)
      %dma_start3A_72 = arith.constant 128 : i32
      %dma_start3A_73 = arith.constant 0 : i32
      %dma_start3A_74 = tpu.memref_slice %arg8[%dma_start3A_72, %dma_start3A_73] : memref<640x64xf32, #tpu.memory_space<vmem>> -> memref<128x64xf32, #tpu.memory_space<vmem>>
      %dma_start3A_75 = arith.constant 128 : i32
      %dma_start3A_76 = tpu.memref_slice %arg6[%dma_start3A_75] : memref<640xi32, #tpu.memory_space<vmem>> -> memref<128xi32, #tpu.memory_space<vmem>>
      %dma_start3A_77 = arith.constant 0 : i32
      %dma_start3A_78 = arith.constant 0 : i32
      %dma_start3A_79 = tpu.memref_slice %arg2[%dma_start3A_77, %dma_start3A_78] : memref<1000000x64xf32, #tpu.memory_space<hbm>> -> memref<1000000x64xf32, #tpu.memory_space<hbm>>
      tpu.enqueue_indirect_dma source(%dma_start3A_79 : memref<1000000x64xf32, #tpu.memory_space<hbm>>) target(%dma_start3A_74 : memref<128x64xf32, #tpu.memory_space<vmem>>) offsets(%dma_start3A_76 : memref<128xi32, #tpu.memory_space<vmem>>) semaphore(%arg10 : memref<!tpu.dma_semaphore, #tpu.memory_space<semaphore_mem>>)
      %dma_start3A_80 = arith.constant 256 : i32
      %dma_start3A_81 = arith.constant 0 : i32
      %dma_start3A_82 = tpu.memref_slice %arg8[%dma_start3A_80, %dma_start3A_81] : memref<640x64xf32, #tpu.memory_space<vmem>> -> memref<128x64xf32, #tpu.memory_space<vmem>>
      %dma_start3A_83 = arith.constant 256 : i32
      %dma_start3A_84 = tpu.memref_slice %arg6[%dma_start3A_83] : memref<640xi32, #tpu.memory_space<vmem>> -> memref<128xi32, #tpu.memory_space<vmem>>
      %dma_start3A_85 = arith.constant 0 : i32
      %dma_start3A_86 = arith.constant 0 : i32
      %dma_start3A_87 = tpu.memref_slice %arg2[%dma_start3A_85, %dma_start3A_86] : memref<1000000x64xf32, #tpu.memory_space<hbm>> -> memref<1000000x64xf32, #tpu.memory_space<hbm>>
      tpu.enqueue_indirect_dma source(%dma_start3A_87 : memref<1000000x64xf32, #tpu.memory_space<hbm>>) target(%dma_start3A_82 : memref<128x64xf32, #tpu.memory_space<vmem>>) offsets(%dma_start3A_84 : memref<128xi32, #tpu.memory_space<vmem>>) semaphore(%arg10 : memref<!tpu.dma_semaphore, #tpu.memory_space<semaphore_mem>>)
      %dma_start3A_88 = arith.constant 384 : i32
      %dma_start3A_89 = arith.constant 0 : i32
      %dma_start3A_90 = tpu.memref_slice %arg8[%dma_start3A_88, %dma_start3A_89] : memref<640x64xf32, #tpu.memory_space<vmem>> -> memref<128x64xf32, #tpu.memory_space<vmem>>
      %dma_start3A_91 = arith.constant 384 : i32
      %dma_start3A_92 = tpu.memref_slice %arg6[%dma_start3A_91] : memref<640xi32, #tpu.memory_space<vmem>> -> memref<128xi32, #tpu.memory_space<vmem>>
      %dma_start3A_93 = arith.constant 0 : i32
      %dma_start3A_94 = arith.constant 0 : i32
      %dma_start3A_95 = tpu.memref_slice %arg2[%dma_start3A_93, %dma_start3A_94] : memref<1000000x64xf32, #tpu.memory_space<hbm>> -> memref<1000000x64xf32, #tpu.memory_space<hbm>>
      tpu.enqueue_indirect_dma source(%dma_start3A_95 : memref<1000000x64xf32, #tpu.memory_space<hbm>>) target(%dma_start3A_90 : memref<128x64xf32, #tpu.memory_space<vmem>>) offsets(%dma_start3A_92 : memref<128xi32, #tpu.memory_space<vmem>>) semaphore(%arg10 : memref<!tpu.dma_semaphore, #tpu.memory_space<semaphore_mem>>)
      %dma_start3A_96 = arith.constant 512 : i32
      %dma_start3A_97 = arith.constant 0 : i32
      %dma_start3A_98 = tpu.memref_slice %arg8[%dma_start3A_96, %dma_start3A_97] : memref<640x64xf32, #tpu.memory_space<vmem>> -> memref<128x64xf32, #tpu.memory_space<vmem>>
      %dma_start3A_99 = arith.constant 512 : i32
      %dma_start3A_100 = tpu.memref_slice %arg6[%dma_start3A_99] : memref<640xi32, #tpu.memory_space<vmem>> -> memref<128xi32, #tpu.memory_space<vmem>>
      %dma_start3A_101 = arith.constant 0 : i32
      %dma_start3A_102 = arith.constant 0 : i32
      %dma_start3A_103 = tpu.memref_slice %arg2[%dma_start3A_101, %dma_start3A_102] : memref<1000000x64xf32, #tpu.memory_space<hbm>> -> memref<1000000x64xf32, #tpu.memory_space<hbm>>
      tpu.enqueue_indirect_dma source(%dma_start3A_103 : memref<1000000x64xf32, #tpu.memory_space<hbm>>) target(%dma_start3A_98 : memref<128x64xf32, #tpu.memory_space<vmem>>) offsets(%dma_start3A_100 : memref<128xi32, #tpu.memory_space<vmem>>) semaphore(%arg10 : memref<!tpu.dma_semaphore, #tpu.memory_space<semaphore_mem>>)
      %dma_wait3A_104 = arith.constant 0 : i32
      %dma_wait3A_105 = arith.constant 0 : i32
      %dma_wait3A_106 = tpu.memref_slice %arg4[%dma_wait3A_104, %dma_wait3A_105] : memref<819200x128xf32, #tpu.memory_space<hbm>> -> memref<640x64xf32, #tpu.memory_space<hbm>>
      %dma_wait3A_107 = arith.constant 0 : i32
      %dma_wait3A_108 = arith.constant 0 : i32
      %dma_wait3A_109 = tpu.memref_slice %arg4[%dma_wait3A_107, %dma_wait3A_108] : memref<819200x128xf32, #tpu.memory_space<hbm>> -> memref<640x64xf32, #tpu.memory_space<hbm>>
      tpu.wait_dma2 semaphore(%arg9 : memref<!tpu.dma_semaphore, #tpu.memory_space<semaphore_mem>>) src(%dma_wait3A_109 : memref<640x64xf32, #tpu.memory_space<hbm>>) dst(%arg7 : memref<640x64xf32, #tpu.memory_space<vmem>>)
      %mul3A_110 = arith.constant 640 : i32
      %mul3A_111 = arith.muli %mul3A_56, %mul3A_110 : i32
      %add3A_112 = arith.addi %mul3A_2, %mul3A_111 : i32
      %dma_start3A_113 = arith.constant 0 : i32
      %dma_start3A_114 = tpu.memref_slice %arg4[%add3A_112, %dma_start3A_113] : memref<819200x128xf32, #tpu.memory_space<hbm>> -> memref<640x64xf32, #tpu.memory_space<hbm>>
      %dma_start3A_115 = arith.constant 0 : i32
      %dma_start3A_116 = tpu.memref_slice %arg4[%add3A_112, %dma_start3A_115] : memref<819200x128xf32, #tpu.memory_space<hbm>> -> memref<640x64xf32, #tpu.memory_space<hbm>>
      tpu.enqueue_dma source(%arg7 : memref<640x64xf32, #tpu.memory_space<vmem>>) target(%dma_start3A_116 : memref<640x64xf32, #tpu.memory_space<hbm>>) target_semaphore(%arg11 : memref<!tpu.dma_semaphore, #tpu.memory_space<semaphore_mem>>)
      %dma_wait3A_117 = arith.constant 0 : i32
      %dma_wait3A_118 = arith.constant 0 : i32
      %dma_wait3A_119 = tpu.memref_slice %arg4[%dma_wait3A_117, %dma_wait3A_118] : memref<819200x128xf32, #tpu.memory_space<hbm>> -> memref<640x64xf32, #tpu.memory_space<hbm>>
      %dma_wait3A_120 = arith.constant 0 : i32
      %dma_wait3A_121 = arith.constant 0 : i32
      %dma_wait3A_122 = tpu.memref_slice %arg4[%dma_wait3A_120, %dma_wait3A_121] : memref<819200x128xf32, #tpu.memory_space<hbm>> -> memref<640x64xf32, #tpu.memory_space<hbm>>
      tpu.wait_dma2 semaphore(%arg11 : memref<!tpu.dma_semaphore, #tpu.memory_space<semaphore_mem>>) src(%arg7 : memref<640x64xf32, #tpu.memory_space<vmem>>) dst(%dma_wait3A_122 : memref<640x64xf32, #tpu.memory_space<hbm>>)
      %lt3A = arith.constant 19 : i32
      %lt3A_123 = arith.cmpi slt, %scan3A_54, %lt3A : i32
      %convert_element_type3A_124 = arith.extui %lt3A_123 : i1 to i32
      %cond3A_125 = arith.constant 0 : i32
      %cond3A_126 = arith.cmpi ne, %convert_element_type3A_124, %cond3A_125 : i32
      scf.if %cond3A_126 {
        %add3A_142 = arith.constant 2 : i32
        %add3A_143 = arith.addi %mul3A_56, %add3A_142 : i32
        %mul3A_144 = arith.constant 640 : i32
        %mul3A_145 = arith.muli %add3A_143, %mul3A_144 : i32
        %add3A_146 = arith.addi %mul3A_2, %mul3A_145 : i32
        "tpu.region"() ({
          %run_scoped3A = tpu.sem_alloc : memref<!tpu.dma_semaphore, #tpu.memory_space<semaphore_mem>>
          %dma_start3A_187 = tpu.memref_slice %arg3[%add3A_146] : memref<819200xi32, #tpu.memory_space<hbm>> -> memref<640xi32, #tpu.memory_space<hbm>>
          %dma_start3A_188 = tpu.memref_slice %arg3[%add3A_146] : memref<819200xi32, #tpu.memory_space<hbm>> -> memref<640xi32, #tpu.memory_space<hbm>>
          tpu.enqueue_dma source(%dma_start3A_188 : memref<640xi32, #tpu.memory_space<hbm>>) target(%arg5 : memref<640xi32, #tpu.memory_space<vmem>>) target_semaphore(%run_scoped3A : memref<!tpu.dma_semaphore, #tpu.memory_space<semaphore_mem>>)
          %dma_wait3A_189 = tpu.memref_slice %arg3[%add3A_146] : memref<819200xi32, #tpu.memory_space<hbm>> -> memref<640xi32, #tpu.memory_space<hbm>>
          %dma_wait3A_190 = tpu.memref_slice %arg3[%add3A_146] : memref<819200xi32, #tpu.memory_space<hbm>> -> memref<640xi32, #tpu.memory_space<hbm>>
          tpu.wait_dma2 semaphore(%run_scoped3A : memref<!tpu.dma_semaphore, #tpu.memory_space<semaphore_mem>>) src(%dma_wait3A_190 : memref<640xi32, #tpu.memory_space<hbm>>) dst(%arg5 : memref<640xi32, #tpu.memory_space<vmem>>)
          tpu.yield
        }) : () -> ()
        %dma_start3A_147 = arith.constant 0 : i32
        %dma_start3A_148 = arith.constant 0 : i32
        %dma_start3A_149 = tpu.memref_slice %arg7[%dma_start3A_147, %dma_start3A_148] : memref<640x64xf32, #tpu.memory_space<vmem>> -> memref<128x64xf32, #tpu.memory_space<vmem>>
        %dma_start3A_150 = arith.constant 0 : i32
        %dma_start3A_151 = tpu.memref_slice %arg5[%dma_start3A_150] : memref<640xi32, #tpu.memory_space<vmem>> -> memref<128xi32, #tpu.memory_space<vmem>>
        %dma_start3A_152 = arith.constant 0 : i32
        %dma_start3A_153 = arith.constant 0 : i32
        %dma_start3A_154 = tpu.memref_slice %arg2[%dma_start3A_152, %dma_start3A_153] : memref<1000000x64xf32, #tpu.memory_space<hbm>> -> memref<1000000x64xf32, #tpu.memory_space<hbm>>
        tpu.enqueue_indirect_dma source(%dma_start3A_154 : memref<1000000x64xf32, #tpu.memory_space<hbm>>) target(%dma_start3A_149 : memref<128x64xf32, #tpu.memory_space<vmem>>) offsets(%dma_start3A_151 : memref<128xi32, #tpu.memory_space<vmem>>) semaphore(%arg9 : memref<!tpu.dma_semaphore, #tpu.memory_space<semaphore_mem>>)
        %dma_start3A_155 = arith.constant 128 : i32
        %dma_start3A_156 = arith.constant 0 : i32
        %dma_start3A_157 = tpu.memref_slice %arg7[%dma_start3A_155, %dma_start3A_156] : memref<640x64xf32, #tpu.memory_space<vmem>> -> memref<128x64xf32, #tpu.memory_space<vmem>>
        %dma_start3A_158 = arith.constant 128 : i32
        %dma_start3A_159 = tpu.memref_slice %arg5[%dma_start3A_158] : memref<640xi32, #tpu.memory_space<vmem>> -> memref<128xi32, #tpu.memory_space<vmem>>
        %dma_start3A_160 = arith.constant 0 : i32
        %dma_start3A_161 = arith.constant 0 : i32
        %dma_start3A_162 = tpu.memref_slice %arg2[%dma_start3A_160, %dma_start3A_161] : memref<1000000x64xf32, #tpu.memory_space<hbm>> -> memref<1000000x64xf32, #tpu.memory_space<hbm>>
        tpu.enqueue_indirect_dma source(%dma_start3A_162 : memref<1000000x64xf32, #tpu.memory_space<hbm>>) target(%dma_start3A_157 : memref<128x64xf32, #tpu.memory_space<vmem>>) offsets(%dma_start3A_159 : memref<128xi32, #tpu.memory_space<vmem>>) semaphore(%arg9 : memref<!tpu.dma_semaphore, #tpu.memory_space<semaphore_mem>>)
        %dma_start3A_163 = arith.constant 256 : i32
        %dma_start3A_164 = arith.constant 0 : i32
        %dma_start3A_165 = tpu.memref_slice %arg7[%dma_start3A_163, %dma_start3A_164] : memref<640x64xf32, #tpu.memory_space<vmem>> -> memref<128x64xf32, #tpu.memory_space<vmem>>
        %dma_start3A_166 = arith.constant 256 : i32
        %dma_start3A_167 = tpu.memref_slice %arg5[%dma_start3A_166] : memref<640xi32, #tpu.memory_space<vmem>> -> memref<128xi32, #tpu.memory_space<vmem>>
        %dma_start3A_168 = arith.constant 0 : i32
        %dma_start3A_169 = arith.constant 0 : i32
        %dma_start3A_170 = tpu.memref_slice %arg2[%dma_start3A_168, %dma_start3A_169] : memref<1000000x64xf32, #tpu.memory_space<hbm>> -> memref<1000000x64xf32, #tpu.memory_space<hbm>>
        tpu.enqueue_indirect_dma source(%dma_start3A_170 : memref<1000000x64xf32, #tpu.memory_space<hbm>>) target(%dma_start3A_165 : memref<128x64xf32, #tpu.memory_space<vmem>>) offsets(%dma_start3A_167 : memref<128xi32, #tpu.memory_space<vmem>>) semaphore(%arg9 : memref<!tpu.dma_semaphore, #tpu.memory_space<semaphore_mem>>)
        %dma_start3A_171 = arith.constant 384 : i32
        %dma_start3A_172 = arith.constant 0 : i32
        %dma_start3A_173 = tpu.memref_slice %arg7[%dma_start3A_171, %dma_start3A_172] : memref<640x64xf32, #tpu.memory_space<vmem>> -> memref<128x64xf32, #tpu.memory_space<vmem>>
        %dma_start3A_174 = arith.constant 384 : i32
        %dma_start3A_175 = tpu.memref_slice %arg5[%dma_start3A_174] : memref<640xi32, #tpu.memory_space<vmem>> -> memref<128xi32, #tpu.memory_space<vmem>>
        %dma_start3A_176 = arith.constant 0 : i32
        %dma_start3A_177 = arith.constant 0 : i32
        %dma_start3A_178 = tpu.memref_slice %arg2[%dma_start3A_176, %dma_start3A_177] : memref<1000000x64xf32, #tpu.memory_space<hbm>> -> memref<1000000x64xf32, #tpu.memory_space<hbm>>
        tpu.enqueue_indirect_dma source(%dma_start3A_178 : memref<1000000x64xf32, #tpu.memory_space<hbm>>) target(%dma_start3A_173 : memref<128x64xf32, #tpu.memory_space<vmem>>) offsets(%dma_start3A_175 : memref<128xi32, #tpu.memory_space<vmem>>) semaphore(%arg9 : memref<!tpu.dma_semaphore, #tpu.memory_space<semaphore_mem>>)
        %dma_start3A_179 = arith.constant 512 : i32
        %dma_start3A_180 = arith.constant 0 : i32
        %dma_start3A_181 = tpu.memref_slice %arg7[%dma_start3A_179, %dma_start3A_180] : memref<640x64xf32, #tpu.memory_space<vmem>> -> memref<128x64xf32, #tpu.memory_space<vmem>>
        %dma_start3A_182 = arith.constant 512 : i32
        %dma_start3A_183 = tpu.memref_slice %arg5[%dma_start3A_182] : memref<640xi32, #tpu.memory_space<vmem>> -> memref<128xi32, #tpu.memory_space<vmem>>
        %dma_start3A_184 = arith.constant 0 : i32
        %dma_start3A_185 = arith.constant 0 : i32
        %dma_start3A_186 = tpu.memref_slice %arg2[%dma_start3A_184, %dma_start3A_185] : memref<1000000x64xf32, #tpu.memory_space<hbm>> -> memref<1000000x64xf32, #tpu.memory_space<hbm>>
        tpu.enqueue_indirect_dma source(%dma_start3A_186 : memref<1000000x64xf32, #tpu.memory_space<hbm>>) target(%dma_start3A_181 : memref<128x64xf32, #tpu.memory_space<vmem>>) offsets(%dma_start3A_183 : memref<128xi32, #tpu.memory_space<vmem>>) semaphore(%arg9 : memref<!tpu.dma_semaphore, #tpu.memory_space<semaphore_mem>>)
      } else {
      }
      %dma_wait3A_127 = arith.constant 0 : i32
      %dma_wait3A_128 = arith.constant 0 : i32
      %dma_wait3A_129 = tpu.memref_slice %arg4[%dma_wait3A_127, %dma_wait3A_128] : memref<819200x128xf32, #tpu.memory_space<hbm>> -> memref<640x64xf32, #tpu.memory_space<hbm>>
      %dma_wait3A_130 = arith.constant 0 : i32
      %dma_wait3A_131 = arith.constant 0 : i32
      %dma_wait3A_132 = tpu.memref_slice %arg4[%dma_wait3A_130, %dma_wait3A_131] : memref<819200x128xf32, #tpu.memory_space<hbm>> -> memref<640x64xf32, #tpu.memory_space<hbm>>
      tpu.wait_dma2 semaphore(%arg10 : memref<!tpu.dma_semaphore, #tpu.memory_space<semaphore_mem>>) src(%dma_wait3A_132 : memref<640x64xf32, #tpu.memory_space<hbm>>) dst(%arg8 : memref<640x64xf32, #tpu.memory_space<vmem>>)
      %add3A_133 = arith.constant 1 : i32
      %add3A_134 = arith.addi %mul3A_56, %add3A_133 : i32
      %mul3A_135 = arith.constant 640 : i32
      %mul3A_136 = arith.muli %add3A_134, %mul3A_135 : i32
      %add3A_137 = arith.addi %mul3A_2, %mul3A_136 : i32
      %dma_start3A_138 = arith.constant 0 : i32
      %dma_start3A_139 = tpu.memref_slice %arg4[%add3A_137, %dma_start3A_138] : memref<819200x128xf32, #tpu.memory_space<hbm>> -> memref<640x64xf32, #tpu.memory_space<hbm>>
      %dma_start3A_140 = arith.constant 0 : i32
      %dma_start3A_141 = tpu.memref_slice %arg4[%add3A_137, %dma_start3A_140] : memref<819200x128xf32, #tpu.memory_space<hbm>> -> memref<640x64xf32, #tpu.memory_space<hbm>>
      tpu.enqueue_dma source(%arg8 : memref<640x64xf32, #tpu.memory_space<vmem>>) target(%dma_start3A_141 : memref<640x64xf32, #tpu.memory_space<hbm>>) target_semaphore(%arg12 : memref<!tpu.dma_semaphore, #tpu.memory_space<semaphore_mem>>)
    }
    %scan3A_48 = arith.constant 20 : i32
    %dma_wait3A = arith.constant 0 : i32
    %dma_wait3A_49 = arith.constant 0 : i32
    %dma_wait3A_50 = tpu.memref_slice %arg4[%dma_wait3A, %dma_wait3A_49] : memref<819200x128xf32, #tpu.memory_space<hbm>> -> memref<640x64xf32, #tpu.memory_space<hbm>>
    %dma_wait3A_51 = arith.constant 0 : i32
    %dma_wait3A_52 = arith.constant 0 : i32
    %dma_wait3A_53 = tpu.memref_slice %arg4[%dma_wait3A_51, %dma_wait3A_52] : memref<819200x128xf32, #tpu.memory_space<hbm>> -> memref<640x64xf32, #tpu.memory_space<hbm>>
    tpu.wait_dma2 semaphore(%arg12 : memref<!tpu.dma_semaphore, #tpu.memory_space<semaphore_mem>>) src(%arg8 : memref<640x64xf32, #tpu.memory_space<vmem>>) dst(%dma_wait3A_53 : memref<640x64xf32, #tpu.memory_space<hbm>>)
    return
  }
}

</mosaic_0001>

<sc_bundles>
// kernel: kernel.3.cloned.1.call-start
scs
__scs_entry_jumppad:
0x0: {  	(pc) =	sbr.rel $0x88, $3  }
0x1: {  	(tag) =	ssettag $0x0;
	lr =	simm.s32 $0x1  }
0x2: {  	[smem:$0x3F9F] =	sst lr;
	_ =	strace $0xD0000000  }
0x3: {  	_ = 	snop  }
0x4: {  	_ = 	snop  }
0x5: {  	_ = 	snop  }
0x6: {  	_ = 	snop  }
0x7: {  	_ = 	snop  }
__scs_overlays_trampoline_lowered:
0x8: {  	[smem:$0x3FAE] =	sst s0  }
0x9: {  	[smem:$0x3FAF] =	sst s1  }
0xa: {  	[smem:$0x3FB0] =	sst s2  }
0xb: {  	[smem:$0x3FB1] =	sst s3  }
0xc: {  	[smem:$0x3FB2] =	sst s4  }
0xd: {  	[smem:$0x3FB3] =	sst s5  }
0xe: {  	[smem:$0x3FB4] =	sst s6  }
0xf: {  	[smem:$0x3FB5] =	sst s7  }
0x10: {  	[smem:$0x3FB6] =	sst s8  }
0x11: {  	[smem:$0x3FB7] =	sst s9;
	s0 =	simm.s32 @!p0 $0x0  }
0x12: {  	s1 =	sld [smem:$0x3F9D];
	s0 =	simm.s32 @p0 $0x1  }
0x13: {  	[smem:$0x3FB8] =	sst s0;
	s0 =	simm.s32 @!p1 $0x0  }
0x14: {  	s2 =	sld [smem:$0x3F9C];
	s0 =	simm.s32 @p1 $0x1  }
0x15: {  	[smem:$0x3FB9] =	sst s0;
	s0 =	simm.s32 @!p2 $0x0  }
0x16: {  	s3 =	sld [smem:$0x3FDB];
	s0 =	simm.s32 @p2 $0x1  }
0x17: {  	s4 =	simm.s32 $0x1BF5;
	[smem:$0x3FBB] =	sst s0  }
0x18: {  	s0 =	sld [smem:$0x3F9E];
	_ =	swait.ge [sflag:s4], $0x0  }
0x19: {  	s7 =	sld [smem:$0x3F9F]  }
0x1a: {  	s8 =	sadd.s32 $0xFFFFE003, lr  }
0x1b: {  	s9 =	sadd.s32 $0xFFFFFEF7, lr;
	s5 =	simm.s32 $0xFFFFFFFF;
	p2 =	slt.u32 s8, $0xFFFFF086  }
0x1c: {  	p1 =	slt.u32 s9, $0xF7A;
	s5 =	simm.s32 @!p2 $0x0  }
0x1d: {  	s5 =	simm.s32 @p1 $0x1;
	p0 =	seq.s32 s7, s2  }
0x1e: {  	s7 =	smul.u32 @!p0 $0xF7A, s2;
	p2 =	seq.s32 @!p0 s5, $0x0  }
0x1f: {  	s9 =	smul.u32 $0xF7A, s1;
	s8 =	simm.s32 @!p0 $0x1BF5;
	p2 =	por !p2, p0  }
0x20: {  	[sflag:s8] =	ssyncset.s32 @!p0 $0xFFFFF086;
	s6 =	sadd.s32 @!p0 s3, s7;
	s7 =	simm.s32 @!p0 $0x108  }
0x21: {  	s3 =	sadd.s32 s3, s9;
	s6 =	sadd.s32 @!p0 $0x88, s6;
	s7 =	simm.s32 @p2 $0x1082  }
0x22: {  	[simem:s7], [sflag:s8] =	dma.local @!p0 [hbm:s6], $0xF7A  }
0x23: {  	s9 =	sor.u32 $0xD0000000, s2;
	s6 =	simm.s32 $0x108;
	_ =	swait.ge @!p0 [sflag:s8], $0x0  }
0x24: {  	s3 =	sadd.s32 $0x88, s3;
	s6 =	simm.s32 @!p1 $0x1082;
	[sflag:s4] =	ssyncset.s32 $0xFFFFF086  }
0x25: {  	[simem:s6], [sflag:s4] =	dma.local [hbm:s3], $0xF7A  }
0x26: {  	[smem:$0x3F9F] =	sst s1;
	(tag) =	ssettag s2;
	_ =	strace s9  }
0x27: {  	s1 =	sld [smem:$0x3FAF]  }
0x28: {  	s2 =	sld [smem:$0x3FB0]  }
0x29: {  	s4 =	sld [smem:$0x3FB2]  }
0x2a: {  	p0 =	seq.s32 s5, $0x0;
	s5 =	sld [smem:$0x3FB3]  }
0x2b: {  	s6 =	sld [smem:$0x3FB4]  }
0x2c: {  	s7 =	sld [smem:$0x3FB5]  }
0x2d: {  	s3 =	simm.s32 $0x108;
	s8 =	sld [smem:$0x3FB6]  }
0x2e: {  	s3 =	simm.s32 @!p0 $0x1082;
	s9 =	sld [smem:$0x3FB7]  }
0x2f: {  	lr =	sadd.s32 s0, s3;
	s0 =	sld [smem:$0x3FAE]  }
0x30: {  	s3 =	sld [smem:$0x3FB1]  }
0x31: {  	[smem:$0x3FBA] =	sst s10  }
0x32: {  	s10 =	sld [smem:$0x3FB8];
	_ =	sdelay $0x3  }
0x33: {  	p0 =	seq.s32 s10, $0x1;
	s10 =	sld [smem:$0x3FBA];
	_ =	sdelay $0x3  }
0x34: {  	[smem:$0x3FBA] =	sst s10  }
0x35: {  	s10 =	sld [smem:$0x3FB9];
	_ =	sdelay $0x3  }
0x36: {  	p1 =	seq.s32 s10, $0x1;
	s10 =	sld [smem:$0x3FBA];
	_ =	sdelay $0x3  }
0x37: {  	[smem:$0x3FBA] =	sst s10  }
0x38: {  	s10 =	sld [smem:$0x3FBB]  }
0x39: {  	_ = 	snop;
	(pc) =	sbr.ind lr, $3  }
0x3a: {  	_ = 	snop  }
0x3b: {  	_ = 	snop  }
0x3c: {  	p2 =	seq.s32 s10, $0x1;
	s10 =	sld [smem:$0x3FBA]  }
0x3d: {  	_ =	shalt  }
0x3e: {  	_ =	shalt  }
0x3f: {  	_ =	shalt  }
0x40: {  	_ =	shalt  }
0x41: {  	_ =	shalt  }
0x42: {  	_ =	shalt  }
0x43: {  	_ =	shalt  }
0x44: {  	_ =	shalt  }
0x45: {  	_ =	shalt  }
0x46: {  	_ =	shalt  }
0x47: {  	_ =	shalt  }
0x48: {  	_ =	shalt  }
0x49: {  	_ =	shalt  }
0x4a: {  	_ =	shalt  }
0x4b: {  	_ =	shalt  }
0x4c: {  	_ =	shalt  }
0x4d: {  	_ =	shalt  }
0x4e: {  	_ =	shalt  }
0x4f: {  	_ =	shalt  }
0x50: {  	_ =	shalt  }
0x51: {  	_ =	shalt  }
0x52: {  	_ =	shalt  }
0x53: {  	_ =	shalt  }
0x54: {  	_ =	shalt  }
0x55: {  	_ =	shalt  }
0x56: {  	_ =	shalt  }
0x57: {  	_ =	shalt  }
0x58: {  	_ =	shalt  }
0x59: {  	_ =	shalt  }
0x5a: {  	_ =	shalt  }
0x5b: {  	_ =	shalt  }
0x5c: {  	_ =	shalt  }
0x5d: {  	_ =	shalt  }
0x5e: {  	_ =	shalt  }
0x5f: {  	_ =	shalt  }
0x60: {  	_ =	shalt  }
0x61: {  	_ =	shalt  }
0x62: {  	_ =	shalt  }
0x63: {  	_ =	shalt  }
0x64: {  	_ =	shalt  }
0x65: {  	_ =	shalt  }
0x66: {  	_ =	shalt  }
0x67: {  	_ =	shalt  }
0x68: {  	_ =	shalt  }
0x69: {  	_ =	shalt  }
0x6a: {  	_ =	shalt  }
0x6b: {  	_ =	shalt  }
0x6c: {  	_ =	shalt  }
0x6d: {  	_ =	shalt  }
0x6e: {  	_ =	shalt  }
0x6f: {  	_ =	shalt  }
0x70: {  	_ =	shalt  }
0x71: {  	_ =	shalt  }
0x72: {  	_ =	shalt  }
0x73: {  	_ =	shalt  }
0x74: {  	_ =	shalt  }
0x75: {  	_ =	shalt  }
0x76: {  	_ =	shalt  }
0x77: {  	_ =	shalt  }
0x78: {  	_ =	shalt  }
0x79: {  	_ =	shalt  }
0x7a: {  	_ =	shalt  }
0x7b: {  	_ =	shalt  }
0x7c: {  	_ =	shalt  }
0x7d: {  	_ =	shalt  }
0x7e: {  	_ =	shalt  }
0x7f: {  	_ =	shalt  }
0x80: {  	_ =	shalt  }
0x81: {  	_ =	shalt  }
0x82: {  	_ =	shalt  }
0x83: {  	_ =	shalt  }
0x84: {  	_ =	shalt  }
0x85: {  	_ =	shalt  }
0x86: {  	_ =	shalt  }
0x87: {  	_ =	shalt  }
.Lfunc_end0:
.L_simem_size_0:
called_computation.1_lowered:
.L_overlay_start_0:
0x88: {  	s2 =	sld [smem:$0x3FD9]  }
0x89: {  	s3 =	sld [smem:$0x3FFE];
	_ =	sdelay $0x1  }
0x8a: {  	s1 =	srdreg.scid  }
0x8b: {  	s0 =	sand.u32 $0x1, s1  }
0x8c: {  	s17 =	sshll.u32 s0, $0xA;
	s2 =	sadd.s32 s3, s2  }
0x8d: {  	s2 =	sadd.s32 s2, s17  }
0x8e: {  	[smem:$0x3FC6] =	sst s2  }
0x8f: {  	_ = 	snop  }
0x90: {  	s2 =	sld [smem:$0x3FD0];
	(tm) =	ssettm $0x1  }
0x91: {  	s18 =	sld [smem:$0x3FFB];
	_ =	sdelay $0x3  }
0x92: {  	_ =	strace s18  }
0x93: {  	s3 =	sld [smem:$0x3FFC];
	_ =	sdelay $0x3  }
0x94: {  	_ =	strace s3  }
0x95: {  	s3 =	sld [smem:$0x3FFD];
	_ =	sdelay $0x3  }
0x96: {  	_ =	strace s3  }
0x97: {  	_ =	strace $0x8FFFFFFF  }
0x98: {  	s19 =	sld [smem:$0x3FDB];
	_ =	sdelay $0x1  }
0x99: {  	s4 =	simm.s32 $_scs_section_size  }
0x9a: {  	s5 =	simm.s32 $_size__tile_overlayer_lowered;
	s6 =	simm.s32 $_tile_overlayer_lowered  }
0x9b: {  	s22 =	simm.s32 $0x1BFF;
	s21 =	sshll.u32 s6, $0x1;
	s3 =	sadd.s32 s4, s19  }
0x9c: {  	s7 =	simm.s32 $0x0;
	s20 =	sshll.u32 s5, $0x1;
	s5 =	sadd.s32 s21, s3  }
0x9d: {  	[timem:s7], [sflag:s22] =	dma.local [hbm:s5], s20  }
0x9e: {  	_ =	swait.ge [sflag:s22], s20  }
0x9f: {  	s4 =	ssub.s32 $0x0, s20;
	[sflag:s22] =	ssyncset.done $0x0  }
0xa0: {  	[sflag:s22] =	ssyncadd.s32 s4;
	_ =	sdelay $0x1  }
0xa1: {  	s23 =	simm.s32 $0x1B8B  }
0xa2: {  	_ =	swait.ge [sflag:s23], $0x1  }
0xa3: {  	[sflag:s23] =	ssyncset.done $0x0  }
0xa4: {  	s25 =	simm.s32 $0x1B8E;
	s24 =	sld [smem:$0x3FFE];
	[sflag:s23] =	ssyncadd.s32 $0xFFFFFFFF  }
0xa5: {  	s26 =	simm.s32 $execute0_lowered;
	[smem:$0x3FD2] =	sst s25  }
0xa6: {  	s5 =	sshll.u32 s26, $0x1;
	_ =	strace $0x80000046;
	[dreg:$0x1] =	wrdreg $0xFFFFFFFF  }
0xa7: {  	s28 =	simm.s32 $_size_execute0_lowered;
	s3 =	sadd.s32 s3, s5;
	[dreg:$0x0] =	wrdreg $0x0  }
0xa8: {  	s5 =	sshll.u32 s28, $0x1;
	[dreg:$0x2] =	wrdreg s3  }
0xa9: {  	[dreg:$0x3] =	wrdreg s5  }
0xaa: {  	[dreg:$0x4] =	wrdreg $0xC0  }
0xab: {  	_ =	task [dreg:s7], $0x5FFFF  }
0xac: {  	[dreg:$0x1] =	wrdreg $0xFFFFFFFF  }
0xad: {  	[dreg:$0x0] =	wrdreg $0x60  }
0xae: {  	[dreg:$0x2] =	wrdreg s24  }
0xaf: {  	[dreg:$0x3] =	wrdreg s2  }
0xb0: {  	[dreg:$0x4] =	wrdreg $0x9  }
0xb1: {  	_ =	task.clear_ibuf [dreg:s7], $0x5FFFF;
	_ =	strace $0x90000046  }
0xb2: {  	s29 =	simm.s32 $0x9;
	_ =	strace $0x80000048  }
0xb3: {  	_ =	swait.ge [sflag:s29], $0x1  }
0xb4: {  	[sflag:s29] =	ssyncadd.s32 $0xFFFFFFFF  }
0xb5: {  	_ =	strace $0x90000048  }
0xb6: {  	_ =	sfence  }
0xb7: {  	s30 =	sld [smem:$0x0];
	_ =	sdelay $0x2  }
0xb8: {  	s31 =	sshll.u32 s1, $0xD;
	s1 =	sshrl.u32 s1, $0x2  }
0xb9: {  	s3 =	sand.u32 $0x4000, s31;
	s1 =	sadd.s32 s1, s30  }
0xba: {  	s0 =	sor.u32 s3, s0;
	s1 =	sshll.u32 s1, $0x11  }
0xbb: {  	s0 =	sor.u32 s1, s0  }
0xbc: {  	s0 =	sadd.s32 $0x8F2B, s0  }
0xbd: {  	[sflag:s0] =	ssyncadd.remote.s32 $0x1  }
0xbe: {  	_ =	sfence.sel $0xFFFF  }
0xbf: {  	[dreg:$0x0] =	wrdreg $0xFFFFFFFF;
	(pc) =	sbr.abs _section_cstart, $3  }
0xc0: {  	[dreg:$0x1] =	wrdreg $0xFFFFFFFF  }
0xc1: {  	_ =	task.clear_ibuf [dreg:s7], $0x2FFFF;
	_ =	strace $0x9FFFFFFF  }
0xc2: {  	(tm) =	ssettm $0x7FFFFFFF  }
0xc3: {  	_ =	shalt  }
tec
execute0_lowered:
.L_overlay_start_1:
0x0: {  	(tag) =	ssettag $0x1  }
0x1: {  	s0 =	rddreg [dreg:$0x0]  }
0x2: {  	s1 =	rddreg [dreg:$0x1]  }
0x3: {  	s2 =	simm.s32 $0x0;
	s3 =	srdreg.scid;
	s11 =	stileid.u32  }
0x4: {  	s28 =	simm.s32 $0xA500;
	s30 =	simm.s32 $0x300;
	s31 =	simm.s32 $0xC500  }
0x5: {  	[smem:$0x7FF] =	sst s2;
	s4 =	sand.u32 $0x1, s3;
	s8 =	smul.u32 $0xC800, s11  }
0x6: {  	s24 =	sshll.u32 s11, $0x1;
	s3 =	sadd.s32 $0xF42E00, s0;
	s22 =	smul.u32 $0xC8000, s11  }
0x7: {  	s12 =	sadd.s32 $0xA00, s0;
	s11 =	simm.s32 $0x3;
	s10 =	smul.u32 $0x6400, s4  }
0x8: {  	s5 =	sor.u32 s4, s24;
	s6 =	ssub.s32 $0x2, s4;
	s4 =	smul.u32 $0x64000, s4  }
0x9: {  	_ =	strace $0x80000047;
	s7 =	smul.u32 $0x6400, s5;
	s25 =	sshrl.u32 s6, $0x1  }
0xa: {  	[dreg:$0x5] =	wrdreg s12;
	s5 =	smul.u32 $0x64000, s5;
	s0 =	ssub.s32 s6, s25  }
0xb: {  	s14 =	sadd.s32 s10, s8;
	s25 =	sadd.s32 s22, s12;
	s22 =	simm.s32 $0x200  }
0xc: {  	s10 =	simm.s32 $0x1;
	s8 =	simm.s32 $0x2;
	s26 =	sor.u32 $0x280, s7  }
0xd: {  	s7 =	sshrl.u32 s7, $0x3;
	s0 =	smax.u32 s0, $0x1;
	s5 =	sadd.s32 s12, s5  }
0xe: {  	s16 =	sadd.s32 $0xC80, s14;
	s18 =	sadd.s32 $0xA00, s14;
	s19 =	sadd.s32 $0x780, s14  }
0xf: {  	s14 =	simm.s32 $0x4500;
	s9 =	sshrl.u32 s26, $0x3;
	[dreg:$0x7] =	wrdreg s0  }
0x10: {  	s7 =	sadd.s32 s1, s7;
	s13 =	sshll.u32 s26, $0x4;
	[dreg:$0x9] =	wrdreg s5  }
0x11: {  	s17 =	sadd.s32 $0x5F000, s5;
	s20 =	sshrl.u32 s18, $0x3;
	s23 =	sshrl.u32 s19, $0x3  }
0x12: {  	[dreg:$0xd] =	wrdreg s19;
	s24 =	sshll.u32 s19, $0x4;
	s18 =	simm.s32 $0x500  }
0x13: {  	s19 =	simm.s32 $0x6500;
	s5 =	simm.s32 $0x40;
	[dreg:$0x6] =	wrdreg s7  }
0x14: {  	s29 =	sadd.s32 s1, s9;
	s15 =	sadd.s32 $0xA0, s7;
	[dreg:$0xc] =	wrdreg s17  }
0x15: {  	s0 =	sadd.s32 s12, s13;
	s21 =	sadd.s32 s20, s1;
	[dreg:$0x8] =	wrdreg s29  }
0x16: {  	s26 =	sadd.s32 s24, s12;
	s17 =	simm.s32 $0x80;
	[dreg:$0xa] =	wrdreg s15  }
0x17: {  	s20 =	simm.s32 $0x2500;
	s13 =	simm.s32 $0x4;
	[dreg:$0xb] =	wrdreg s0  }
0x18: {  	s7 =	simm.s32 $0x10500;
	s0 =	sshrl.u32 s16, $0x3;
	[dreg:$0x3] =	wrdreg s21  }
0x19: {  	[dreg:$0xf] =	wrdreg s26;
	s29 =	sadd.s32 s4, s25;
	s0 =	sadd.s32 s0, s1  }
0x1a: {  	s16 =	simm.s32 $0x5;
	s21 =	simm.s32 $0x100;
	s0 =	sadd.s32 $0xFFFFFF60, s0  }
0x1b: {  	s15 =	simm.s32 $0x180;
	[dreg:$0xe] =	wrdreg s0;
	s0 =	sadd.s32 s23, s1  }
0x1c: {  	s26 =	simm.s32 $0x280;
	[dreg:$0x4] =	wrdreg s0;
	s0 =	sadd.s32 $0x5000, s29  }
0x1d: {  	s23 =	simm.s32 $0x8500;
	[dreg:$0x10] =	wrdreg s0;
	s0 =	simm.s32 $0x0  }
.LBB2_1:
0x1e: {  	[dreg:$0x11] =	wrdreg s0  }
0x1f: {  	s4 =	rddreg [dreg:$0x6]  }
0x20: {  	[tilespmem:s2], [sflag:$0x5] =	stream.linear.gather [hbm4b:s4+s2], $0x280, $0x38;
	[tilespmem:$0x14500] =	vst v63  }
0x21: {  	_ =	swait.ge [sflag:s16], $0x280  }
0x22: {  	[sflag:s16] =	ssyncset.done $0x0  }
0x23: {  	[sflag:s16] =	ssyncadd.s32 $0xFFFFFD80  }
0x24: {  	[tilespmem:s18], [sflag:$0x1] =	stream.indirect.gather [hbm4b:s3+s17], $0x40, s2, s17, $0xb8;
	[tilespmem:$0x14500] =	vst v63  }
0x25: {  	_ = 	snop  }
0x26: {  	[tilespmem:s20], [sflag:$0x1] =	stream.indirect.gather [hbm4b:s3+s17], $0x40, s17, s17, $0xb8;
	[tilespmem:$0x14500] =	vst v63  }
0x27: {  	_ = 	snop  }
0x28: {  	[tilespmem:s14], [sflag:$0x1] =	stream.indirect.gather [hbm4b:s3+s17], $0x40, s21, s17, $0xb8;
	[tilespmem:$0x14500] =	vst v63  }
0x29: {  	_ = 	snop  }
0x2a: {  	[tilespmem:s19], [sflag:$0x1] =	stream.indirect.gather [hbm4b:s3+s17], $0x40, s15, s17, $0xb8;
	[tilespmem:$0x14500] =	vst v63  }
0x2b: {  	_ = 	snop  }
0x2c: {  	[tilespmem:s23], [sflag:$0x1] =	stream.indirect.gather [hbm4b:s3+s17], $0x40, s22, s17, $0xb8;
	[tilespmem:$0x14500] =	vst v63  }
0x2d: {  	s0 =	rddreg [dreg:$0x8]  }
0x2e: {  	[tilespmem:s26], [sflag:$0x5] =	stream.linear.gather [hbm4b:s0+s2], $0x280, $0x38;
	[tilespmem:$0x14500] =	vst v63  }
0x2f: {  	_ =	swait.ge [sflag:s16], $0x280  }
0x30: {  	[sflag:s16] =	ssyncset.done $0x0  }
0x31: {  	[sflag:s16] =	ssyncadd.s32 $0xFFFFFD80  }
0x32: {  	[tilespmem:s28], [sflag:$0x2] =	stream.indirect.gather [hbm4b:s3+s17], $0x40, s26, s17, $0xb8;
	[tilespmem:$0x14500] =	vst v63  }
0x33: {  	s24 =	simm.s32 $0xC500;
	s0 =	simm.s32 $0x300  }
0x34: {  	[tilespmem:s24], [sflag:$0x2] =	stream.indirect.gather [hbm4b:s3+s17], $0x40, s0, s17, $0xb8;
	[tilespmem:$0x14500] =	vst v63  }
0x35: {  	s6 =	simm.s32 $0x380;
	s29 =	simm.s32 $0xE500  }
0x36: {  	[tilespmem:s29], [sflag:$0x2] =	stream.indirect.gather [hbm4b:s3+s17], $0x40, s6, s17, $0xb8;
	[tilespmem:$0x14500] =	vst v63  }
0x37: {  	s9 =	simm.s32 $0x400;
	s12 =	simm.s32 $0x10500  }
0x38: {  	[tilespmem:s12], [sflag:$0x2] =	stream.indirect.gather [hbm4b:s3+s17], $0x40, s9, s17, $0xb8;
	[tilespmem:$0x14500] =	vst v63  }
0x39: {  	s1 =	simm.s32 $0x480;
	s25 =	simm.s32 $0x12500  }
0x3a: {  	[tilespmem:s25], [sflag:$0x2] =	stream.indirect.gather [hbm4b:s3+s17], $0x40, s1, s17, $0xb8;
	[tilespmem:$0x14500] =	vst v63  }
0x3b: {  	_ =	swait.ge [sflag:s10], $0xA000  }
0x3c: {  	[sflag:s10] =	ssyncset.done $0x0  }
0x3d: {  	s1 =	rddreg [dreg:$0x9];
	[sflag:s10] =	ssyncadd.s32 $0xFFFF6000  }
0x3e: {  	[hbm4b:s1+s5] =	stream.strided.scatter [tilespmem:s18], [sflag:$0x3], $0xA000, s17, s5, $0x38;
	[tilespmem:$0x14500] =	vst v63  }
0x3f: {  	_ =	swait.ge [sflag:s11], $0xA000  }
0x40: {  	[sflag:s11] =	ssyncset.done $0x0  }
0x41: {  	s1 =	rddreg [dreg:$0xa];
	[sflag:s11] =	ssyncadd.s32 $0xFFFF6000  }
0x42: {  	[tilespmem:s2], [sflag:$0x5] =	stream.linear.gather [hbm4b:s1+s2], $0x280, $0x38;
	[tilespmem:$0x14500] =	vst v63  }
0x43: {  	_ =	swait.ge [sflag:s16], $0x280  }
0x44: {  	[sflag:s16] =	ssyncset.done $0x0  }
0x45: {  	[sflag:s16] =	ssyncadd.s32 $0xFFFFFD80  }
0x46: {  	[tilespmem:s18], [sflag:$0x1] =	stream.indirect.gather [hbm4b:s3+s17], $0x40, s2, s17, $0xb8;
	[tilespmem:$0x14500] =	vst v63  }
0x47: {  	_ = 	snop  }
0x48: {  	[tilespmem:s20], [sflag:$0x1] =	stream.indirect.gather [hbm4b:s3+s17], $0x40, s17, s17, $0xb8;
	[tilespmem:$0x14500] =	vst v63  }
0x49: {  	_ = 	snop  }
0x4a: {  	[tilespmem:s14], [sflag:$0x1] =	stream.indirect.gather [hbm4b:s3+s17], $0x40, s21, s17, $0xb8;
	[tilespmem:$0x14500] =	vst v63  }
0x4b: {  	_ = 	snop  }
0x4c: {  	[tilespmem:s19], [sflag:$0x1] =	stream.indirect.gather [hbm4b:s3+s17], $0x40, s15, s17, $0xb8;
	[tilespmem:$0x14500] =	vst v63  }
0x4d: {  	_ = 	snop  }
0x4e: {  	[tilespmem:s23], [sflag:$0x1] =	stream.indirect.gather [hbm4b:s3+s17], $0x40, s22, s17, $0xb8;
	[tilespmem:$0x14500] =	vst v63  }
0x4f: {  	_ =	swait.ge [sflag:s8], $0xA000  }
0x50: {  	[sflag:s8] =	ssyncset.done $0x0  }
0x51: {  	s1 =	rddreg [dreg:$0xb];
	[sflag:s8] =	ssyncadd.s32 $0xFFFF6000  }
0x52: {  	[hbm4b:s1+s5] =	stream.strided.scatter [tilespmem:s28], [sflag:$0x4], $0xA000, s17, s5, $0x38;
	[tilespmem:$0x14500] =	vst v63  }
0x53: {  	_ =	swait.ge [sflag:s13], $0xA000  }
0x54: {  	s1 =	rddreg [dreg:$0x4];
	[sflag:s13] =	ssyncset.done $0x0  }
0x55: {  	[sflag:s13] =	ssyncadd.s32 $0xFFFF6000;
	s4 =	sadd.s32 $0x0, s1  }
0x56: {  	[tilespmem:s26], [sflag:$0x5] =	stream.linear.gather [hbm4b:s4+s2], $0x280, $0x38;
	[tilespmem:$0x14500] =	vst v63  }
0x57: {  	_ =	swait.ge [sflag:s16], $0x280  }
0x58: {  	[sflag:s16] =	ssyncset.done $0x0  }
0x59: {  	[sflag:s16] =	ssyncadd.s32 $0xFFFFFD80  }
0x5a: {  	[tilespmem:s28], [sflag:$0x2] =	stream.indirect.gather [hbm4b:s3+s17], $0x40, s26, s17, $0xb8;
	[tilespmem:$0x14500] =	vst v63  }
0x5b: {  	_ = 	snop  }
0x5c: {  	[tilespmem:s24], [sflag:$0x2] =	stream.indirect.gather [hbm4b:s3+s17], $0x40, s0, s17, $0xb8;
	[tilespmem:$0x14500] =	vst v63  }
0x5d: {  	_ = 	snop  }
0x5e: {  	[tilespmem:s29], [sflag:$0x2] =	stream.indirect.gather [hbm4b:s3+s17], $0x40, s6, s17, $0xb8;
	[tilespmem:$0x14500] =	vst v63  }
0x5f: {  	_ = 	snop  }
0x60: {  	[tilespmem:s12], [sflag:$0x2] =	stream.indirect.gather [hbm4b:s3+s17], $0x40, s9, s17, $0xb8;
	[tilespmem:$0x14500] =	vst v63  }
0x61: {  	s12 =	simm.s32 $0x480  }
0x62: {  	[tilespmem:s25], [sflag:$0x2] =	stream.indirect.gather [hbm4b:s3+s17], $0x40, s12, s17, $0xb8;
	[tilespmem:$0x14500] =	vst v63  }
0x63: {  	_ =	swait.ge [sflag:s10], $0xA000  }
0x64: {  	[sflag:s10] =	ssyncset.done $0x0  }
0x65: {  	s24 =	rddreg [dreg:$0x10];
	[sflag:s10] =	ssyncadd.s32 $0xFFFF6000  }
0x66: {  	[hbm4b:s24+s5] =	stream.strided.scatter [tilespmem:s18], [sflag:$0x3], $0xA000, s17, s5, $0x38;
	[tilespmem:$0x14500] =	vst v63  }
0x67: {  	_ =	swait.ge [sflag:s11], $0xA000  }
0x68: {  	s25 =	rddreg [dreg:$0x3];
	[sflag:s11] =	ssyncset.done $0x0  }
0x69: {  	[sflag:s11] =	ssyncadd.s32 $0xFFFF6000;
	s4 =	sadd.s32 $0x0, s25  }
0x6a: {  	[tilespmem:s2], [sflag:$0x5] =	stream.linear.gather [hbm4b:s4+s2], $0x280, $0x38;
	[tilespmem:$0x14500] =	vst v63  }
0x6b: {  	_ =	swait.ge [sflag:s16], $0x280  }
0x6c: {  	[sflag:s16] =	ssyncset.done $0x0  }
0x6d: {  	[sflag:s16] =	ssyncadd.s32 $0xFFFFFD80  }
0x6e: {  	[tilespmem:s18], [sflag:$0x1] =	stream.indirect.gather [hbm4b:s3+s17], $0x40, s2, s17, $0xb8;
	[tilespmem:$0x14500] =	vst v63  }
0x6f: {  	_ = 	snop  }
0x70: {  	[tilespmem:s20], [sflag:$0x1] =	stream.indirect.gather [hbm4b:s3+s17], $0x40, s17, s17, $0xb8;
	[tilespmem:$0x14500] =	vst v63  }
0x71: {  	_ = 	snop  }
0x72: {  	[tilespmem:s14], [sflag:$0x1] =	stream.indirect.gather [hbm4b:s3+s17], $0x40, s21, s17, $0xb8;
	[tilespmem:$0x14500] =	vst v63  }
0x73: {  	s1 =	simm.s32 $0xE500;
	s0 =	simm.s32 $0x12500;
	s6 =	simm.s32 $0x400  }
0x74: {  	[tilespmem:s19], [sflag:$0x1] =	stream.indirect.gather [hbm4b:s3+s17], $0x40, s15, s17, $0xb8;
	[tilespmem:$0x14500] =	vst v63  }
0x75: {  	s29 =	simm.s32 $0x8500;
	s9 =	simm.s32 $0x480;
	s25 =	simm.s32 $0x200  }
0x76: {  	[tilespmem:s23], [sflag:$0x1] =	stream.indirect.gather [hbm4b:s3+s17], $0x40, s22, s17, $0xb8;
	[tilespmem:$0x14500] =	vst v63  }
0x77: {  	s14 =	simm.s32 $0xA0;
	s15 =	sadd.s32 $0x5000, s24;
	_ =	swait.ge [sflag:s8], $0xA000  }
0x78: {  	s22 =	simm.s32 $0x4500;
	[sflag:s8] =	ssyncset.done $0x0;
	s24 =	rddreg [dreg:$0xd]  }
0x79: {  	s23 =	simm.s32 $0x180;
	s19 =	rddreg [dreg:$0xf];
	[sflag:s8] =	ssyncadd.s32 $0xFFFF6000  }
0x7a: {  	s12 =	sadd.s32 $0x500, s24;
	s24 =	simm.s32 $0x6500;
	s4 =	sadd.s32 $0x5000, s19  }
.LBB2_2:
0x7b: {  	[hbm4b:s19+s5] =	stream.strided.scatter [tilespmem:s28], [sflag:$0x4], $0xA000, s17, s5, $0x38;
	[tilespmem:$0x14500] =	vst v63  }
0x7c: {  	_ =	swait.ge [sflag:s13], $0xA000  }
0x7d: {  	s20 =	smov.u32 s14;
	s21 =	rddreg [dreg:$0x4];
	[sflag:s13] =	ssyncset.done $0x0  }
0x7e: {  	[sflag:s13] =	ssyncadd.s32 $0xFFFF6000;
	s21 =	sadd.s32 s20, s21  }
0x7f: {  	[tilespmem:s26], [sflag:$0x5] =	stream.linear.gather [hbm4b:s21+s2], $0x280, $0x38;
	[tilespmem:$0x14500] =	vst v63  }
0x80: {  	_ =	swait.ge [sflag:s16], $0x280  }
0x81: {  	[sflag:s16] =	ssyncset.done $0x0  }
0x82: {  	[sflag:s16] =	ssyncadd.s32 $0xFFFFFD80  }
0x83: {  	[tilespmem:s28], [sflag:$0x2] =	stream.indirect.gather [hbm4b:s3+s17], $0x40, s26, s17, $0xb8;
	[tilespmem:$0x14500] =	vst v63  }
0x84: {  	_ = 	snop  }
0x85: {  	[tilespmem:s31], [sflag:$0x2] =	stream.indirect.gather [hbm4b:s3+s17], $0x40, s30, s17, $0xb8;
	[tilespmem:$0x14500] =	vst v63  }
0x86: {  	s21 =	simm.s32 $0x380  }
0x87: {  	[tilespmem:s1], [sflag:$0x2] =	stream.indirect.gather [hbm4b:s3+s17], $0x40, s21, s17, $0xb8;
	[tilespmem:$0x14500] =	vst v63  }
0x88: {  	_ = 	snop  }
0x89: {  	[tilespmem:s7], [sflag:$0x2] =	stream.indirect.gather [hbm4b:s3+s17], $0x40, s6, s17, $0xb8;
	[tilespmem:$0x14500] =	vst v63  }
0x8a: {  	_ = 	snop  }
0x8b: {  	[tilespmem:s0], [sflag:$0x2] =	stream.indirect.gather [hbm4b:s3+s17], $0x40, s9, s17, $0xb8;
	[tilespmem:$0x14500] =	vst v63  }
0x8c: {  	_ =	swait.ge [sflag:s10], $0xA000  }
0x8d: {  	[sflag:s10] =	ssyncset.done $0x0  }
0x8e: {  	[sflag:s10] =	ssyncadd.s32 $0xFFFF6000  }
0x8f: {  	[hbm4b:s15+s5] =	stream.strided.scatter [tilespmem:s18], [sflag:$0x3], $0xA000, s17, s5, $0x38;
	[tilespmem:$0x14500] =	vst v63  }
0x90: {  	_ =	swait.ge [sflag:s11], $0xA000  }
0x91: {  	s21 =	rddreg [dreg:$0x3];
	[sflag:s11] =	ssyncset.done $0x0  }
0x92: {  	[sflag:s11] =	ssyncadd.s32 $0xFFFF6000;
	s20 =	sadd.s32 s20, s21  }
0x93: {  	[tilespmem:s2], [sflag:$0x5] =	stream.linear.gather [hbm4b:s20+s2], $0x280, $0x38;
	[tilespmem:$0x14500] =	vst v63  }
0x94: {  	_ =	swait.ge [sflag:s16], $0x280  }
0x95: {  	[sflag:s16] =	ssyncset.done $0x0  }
0x96: {  	[sflag:s16] =	ssyncadd.s32 $0xFFFFFD80  }
0x97: {  	[tilespmem:s18], [sflag:$0x1] =	stream.indirect.gather [hbm4b:s3+s17], $0x40, s2, s17, $0xb8;
	[tilespmem:$0x14500] =	vst v63  }
0x98: {  	s20 =	simm.s32 $0x2500  }
0x99: {  	[tilespmem:s20], [sflag:$0x1] =	stream.indirect.gather [hbm4b:s3+s17], $0x40, s17, s17, $0xb8;
	[tilespmem:$0x14500] =	vst v63  }
0x9a: {  	s14 =	sadd.s32 $0xA0, s14;
	s21 =	simm.s32 $0x100  }
0x9b: {  	[tilespmem:s22], [sflag:$0x1] =	stream.indirect.gather [hbm4b:s3+s17], $0x40, s21, s17, $0xb8;
	[tilespmem:$0x14500] =	vst v63  }
0x9c: {  	p0 =	sne.s32 s14, $0xB40  }
0x9d: {  	[tilespmem:s24], [sflag:$0x1] =	stream.indirect.gather [hbm4b:s3+s17], $0x40, s23, s17, $0xb8;
	[tilespmem:$0x14500] =	vst v63  }
.Ltmp0:
0x9e: {  	_ = 	snop;
	(pc) =	sbr.rel @p0 .LBB2_2-.Ltmp0, $4  }
0x9f: {  	[tilespmem:s29], [sflag:$0x1] =	stream.indirect.gather [hbm4b:s3+s17], $0x40, s25, s17, $0xb8;
	[tilespmem:$0x14500] =	vst v63  }
0xa0: {  	_ =	swait.ge [sflag:s8], $0xA000  }
0xa1: {  	s19 =	smov.u32 s4;
	s12 =	sadd.s32 $0x500, s12;
	[sflag:s8] =	ssyncset.done $0x0  }
0xa2: {  	s4 =	sadd.s32 $0x5000, s4;
	s15 =	sadd.s32 $0x5000, s15;
	[sflag:s8] =	ssyncadd.s32 $0xFFFF6000  }
0xa3: {  	[hbm4b:s19+s5] =	stream.strided.scatter [tilespmem:s28], [sflag:$0x4], $0xA000, s17, s5, $0x38;
	[tilespmem:$0x14500] =	vst v63  }
0xa4: {  	_ =	swait.ge [sflag:s13], $0xA000  }
0xa5: {  	[sflag:s13] =	ssyncset.done $0x0;
	s4 =	rddreg [dreg:$0xe]  }
0xa6: {  	[sflag:s13] =	ssyncadd.s32 $0xFFFF6000;
	s4 =	sadd.s32 s14, s4  }
0xa7: {  	[tilespmem:s26], [sflag:$0x5] =	stream.linear.gather [hbm4b:s4+s2], $0x280, $0x38;
	[tilespmem:$0x14500] =	vst v63  }
0xa8: {  	_ =	swait.ge [sflag:s16], $0x280  }
0xa9: {  	[sflag:s16] =	ssyncset.done $0x0  }
0xaa: {  	[sflag:s16] =	ssyncadd.s32 $0xFFFFFD80  }
0xab: {  	[tilespmem:s28], [sflag:$0x2] =	stream.indirect.gather [hbm4b:s3+s17], $0x40, s26, s17, $0xb8;
	[tilespmem:$0x14500] =	vst v63  }
0xac: {  	_ = 	snop  }
0xad: {  	[tilespmem:s31], [sflag:$0x2] =	stream.indirect.gather [hbm4b:s3+s17], $0x40, s30, s17, $0xb8;
	[tilespmem:$0x14500] =	vst v63  }
0xae: {  	s19 =	simm.s32 $0x380  }
0xaf: {  	[tilespmem:s1], [sflag:$0x2] =	stream.indirect.gather [hbm4b:s3+s17], $0x40, s19, s17, $0xb8;
	[tilespmem:$0x14500] =	vst v63  }
0xb0: {  	_ = 	snop  }
0xb1: {  	[tilespmem:s7], [sflag:$0x2] =	stream.indirect.gather [hbm4b:s3+s17], $0x40, s6, s17, $0xb8;
	[tilespmem:$0x14500] =	vst v63  }
0xb2: {  	_ = 	snop  }
0xb3: {  	[tilespmem:s0], [sflag:$0x2] =	stream.indirect.gather [hbm4b:s3+s17], $0x40, s9, s17, $0xb8;
	[tilespmem:$0x14500] =	vst v63  }
0xb4: {  	_ =	swait.ge [sflag:s10], $0xA000  }
0xb5: {  	[sflag:s10] =	ssyncset.done $0x0  }
0xb6: {  	s22 =	rddreg [dreg:$0xc];
	[sflag:s10] =	ssyncadd.s32 $0xFFFF6000  }
0xb7: {  	[hbm4b:s22+s5] =	stream.strided.scatter [tilespmem:s18], [sflag:$0x3], $0xA000, s17, s5, $0x38;
	[tilespmem:$0x14500] =	vst v63  }
0xb8: {  	_ =	swait.ge [sflag:s11], $0xA000  }
0xb9: {  	[sflag:s11] =	ssyncset.done $0x0  }
0xba: {  	[sflag:s11] =	ssyncadd.s32 $0xFFFF6000  }
0xbb: {  	s23 =	sshll.u32 s12, $0x4;
	_ =	swait.ge [sflag:s8], $0xA000  }
0xbc: {  	s4 =	sand.u32 $0x1FFFD800, s23;
	[sflag:s8] =	ssyncset.done $0x0;
	s24 =	rddreg [dreg:$0x5]  }
0xbd: {  	[sflag:s8] =	ssyncadd.s32 $0xFFFF6000;
	s4 =	sadd.s32 s24, s4  }
0xbe: {  	[hbm4b:s4+s5] =	stream.strided.scatter [tilespmem:s28], [sflag:$0x4], $0xA000, s17, s5, $0x38;
	[tilespmem:$0x14500] =	vst v63  }
0xbf: {  	_ =	swait.ge [sflag:s13], $0xA000  }
0xc0: {  	s25 =	rddreg [dreg:$0x11]  }
0xc1: {  	s29 =	rddreg [dreg:$0x7];
	s0 =	sadd.s32 $0x1, s25  }
0xc2: {  	p0 =	sne.s32 s0, s29  }
.Ltmp1:
0xc3: {  	_ = 	snop;
	(pc) =	sbr.rel @p0 .LBB2_1-.Ltmp1, $4  }
0xc4: {  	_ = 	snop  }
0xc5: {  	s15 =	simm.s32 $0x180  }
0xc6: {  	s14 =	simm.s32 $0x4500;
	s23 =	simm.s32 $0x8500;
	[sflag:s13] =	ssyncset.done $0x0  }
0xc7: {  	s19 =	simm.s32 $0x6500;
	s22 =	simm.s32 $0x200;
	[sflag:s13] =	ssyncadd.s32 $0xFFFF6000  }
0xc8: {  	_ =	sfence.sel $0x180000  }
0xc9: {  	[bflag:$0x0] =	sbarrier.arrive $0xFFFF  }
0xca: {  	_ =	strace $0x90000047  }
0xcb: {  	s0 =	stileid.u32;
	[bflag:$0x2] =	sbarrier.arrive $0xFFFF  }
0xcc: {  	p0 =	sne.s32 s0, $0x0;
	s0 =	rddreg [dreg:$0x2]  }
0xcd: {  	s0 =	sadd.s32 @!p0 $0x100000, s0  }
0xce: {  	[sflag:s0] =	ssyncadd.tile.s32 @!p0 $0x1;
	_ =	shalt  }
.Lfunc_end2:
_tile_overlayer_lowered:
.L_overlay_start_2:
0xcf: {  	(tag) =	ssettag $0x2  }
0xd0: {  	s0 =	rddreg [dreg:$0x0];
	s2 =	stileid.u32  }
0xd1: {  	s1 =	rddreg [dreg:$0x1];
	p0 =	sne.s32 s2, $0x0  }
0xd2: {  	s3 =	rddreg [dreg:$0x2];
	[bflag:$0x3] =	sbarrier.arrive $0xFFFF;
	s2 =	simm.s32 @!p0 $0x1C05  }
0xd3: {  	[timem:s3], [sflag:s2] =	dma.local @!p0 [hbm:s0], s1  }
0xd4: {  	s0 =	simm.s32 @!p0 $0x5  }
0xd5: {  	_ =	swait.ge @!p0 [sflag:s0], s1  }
0xd6: {  	s1 =	ssub.s32 @!p0 $0x0, s1;
	[sflag:s0] =	ssyncset.done @!p0 $0x0  }
0xd7: {  	[sflag:s0] =	ssyncadd.s32 @!p0 s1  }
0xd8: {  	[bflag:$0x3] =	sbarrier.arrive $0xFFFF  }
0xd9: {  	_ =	shalt  }

// kernel: sparse-core-data-format-call.cloned.1.call-start
scs
called_computation_lowered:
.L_overlay_start_0:
0x0: {  	s2 =	sld [smem:$0x3FD9]  }
0x1: {  	s3 =	sld [smem:$0x3FFE];
	_ =	sdelay $0x1  }
0x2: {  	s1 =	srdreg.scid  }
0x3: {  	s0 =	sand.u32 $0x1, s1  }
0x4: {  	s18 =	sshll.u32 s0, $0xA;
	s2 =	sadd.s32 s3, s2  }
0x5: {  	s2 =	sadd.s32 s2, s18  }
0x6: {  	[smem:$0x3FC6] =	sst s2  }
0x7: {  	_ = 	snop  }
0x8: {  	s2 =	sld [smem:$0x3FD0];
	(tm) =	ssettm $0x1  }
0x9: {  	s19 =	sld [smem:$0x3FFB];
	_ =	sdelay $0x3  }
0xa: {  	_ =	strace s19  }
0xb: {  	s3 =	sld [smem:$0x3FFC];
	_ =	sdelay $0x3  }
0xc: {  	_ =	strace s3  }
0xd: {  	s3 =	sld [smem:$0x3FFD];
	_ =	sdelay $0x3  }
0xe: {  	_ =	strace s3  }
0xf: {  	_ =	strace $0x8FFFFFFF  }
0x10: {  	s20 =	sld [smem:$0x3FDB];
	_ =	sdelay $0x1  }
0x11: {  	s4 =	simm.s32 $_scs_section_size  }
0x12: {  	s5 =	simm.s32 $_size__tile_overlayer_lowered;
	s6 =	simm.s32 $_tile_overlayer_lowered  }
0x13: {  	s23 =	simm.s32 $0x1BFF;
	s22 =	sshll.u32 s6, $0x1;
	s3 =	sadd.s32 s4, s20  }
0x14: {  	s7 =	simm.s32 $0x0;
	s21 =	sshll.u32 s5, $0x1;
	s5 =	sadd.s32 s22, s3  }
0x15: {  	[timem:s7], [sflag:s23] =	dma.local [hbm:s5], s21  }
0x16: {  	_ =	swait.ge [sflag:s23], s21  }
0x17: {  	s4 =	ssub.s32 $0x0, s21;
	[sflag:s23] =	ssyncset.done $0x0  }
0x18: {  	[sflag:s23] =	ssyncadd.s32 s4;
	_ =	sdelay $0x1  }
0x19: {  	s24 =	simm.s32 $0x1B8B  }
0x1a: {  	_ =	swait.ge [sflag:s24], $0x1  }
0x1b: {  	[sflag:s24] =	ssyncset.done $0x0  }
0x1c: {  	s26 =	simm.s32 $0x1B8E;
	s25 =	sld [smem:$0x3FFE];
	[sflag:s24] =	ssyncadd.s32 $0xFFFFFFFF  }
0x1d: {  	s27 =	simm.s32 $execute0_lowered;
	[smem:$0x3FD2] =	sst s26  }
0x1e: {  	s5 =	sshll.u32 s27, $0x1;
	_ =	strace $0x80000049;
	[dreg:$0x1] =	wrdreg $0xFFFFFFFF  }
0x1f: {  	s28 =	simm.s32 $_size_execute0_lowered;
	s3 =	sadd.s32 s3, s5;
	[dreg:$0x0] =	wrdreg $0x0  }
0x20: {  	s5 =	sshll.u32 s28, $0x1;
	[dreg:$0x2] =	wrdreg s3  }
0x21: {  	[dreg:$0x3] =	wrdreg s5  }
0x22: {  	[dreg:$0x4] =	wrdreg $0xC0  }
0x23: {  	_ =	task [dreg:s7], $0x5FFFF  }
0x24: {  	[dreg:$0x1] =	wrdreg $0xFFFFFFFF  }
0x25: {  	[dreg:$0x0] =	wrdreg $0x60  }
0x26: {  	[dreg:$0x2] =	wrdreg s25  }
0x27: {  	[dreg:$0x3] =	wrdreg s2  }
0x28: {  	[dreg:$0x4] =	wrdreg $0x9  }
0x29: {  	_ =	task.clear_ibuf [dreg:s7], $0x5FFFF;
	_ =	strace $0x90000049  }
0x2a: {  	s29 =	simm.s32 $0x9;
	_ =	strace $0x8000004B  }
0x2b: {  	_ =	swait.ge [sflag:s29], $0x1  }
0x2c: {  	[sflag:s29] =	ssyncadd.s32 $0xFFFFFFFF  }
0x2d: {  	_ =	strace $0x9000004B  }
0x2e: {  	_ =	sfence  }
0x2f: {  	s30 =	sld [smem:$0x0];
	_ =	sdelay $0x2  }
0x30: {  	s31 =	sshll.u32 s1, $0xD;
	s1 =	sshrl.u32 s1, $0x2  }
0x31: {  	s3 =	sand.u32 $0x4000, s31;
	s1 =	sadd.s32 s1, s30  }
0x32: {  	s0 =	sor.u32 s3, s0;
	s1 =	sshll.u32 s1, $0x11  }
0x33: {  	s0 =	sor.u32 s1, s0  }
0x34: {  	s0 =	sadd.s32 $0x8F2B, s0  }
0x35: {  	[sflag:s0] =	ssyncadd.remote.s32 $0x1  }
0x36: {  	_ =	sfence.sel $0xFFFF  }
0x37: {  	[dreg:$0x0] =	wrdreg $0xFFFFFFFF;
	(pc) =	sbr.abs _section_cstart, $3  }
0x38: {  	[dreg:$0x1] =	wrdreg $0xFFFFFFFF  }
0x39: {  	_ =	task.clear_ibuf [dreg:s7], $0x2FFFF;
	_ =	strace $0x9FFFFFFF  }
0x3a: {  	(tm) =	ssettm $0x7FFFFFFF  }
0x3b: {  	_ =	shalt  }
tec
execute0_lowered:
.L_overlay_start_1:
0x0: {  	(tag) =	ssettag $0x1  }
0x1: {  	s0 =	srdreg.scid  }
0x2: {  	s1 =	sshll.u32 s0, $0x4  }
0x3: {  	s5 =	rddreg [dreg:$0x0];
	s0 =	stileid.u32;
	s1 =	sand.u32 $0x10, s1  }
0x4: {  	s3 =	rddreg [dreg:$0x1];
	s31 =	simm.s32 $0x2;
	s4 =	sor.u32 s0, s1  }
0x5: {  	s13 =	simm.s32 $0x0;
	s9 =	simm.s32 $0x400;
	s2 =	sshll.u32 s4, $0x7  }
0x6: {  	s10 =	simm.s32 $0x8000;
	s14 =	simm.s32 $0x0;
	s6 =	ssub.s32 $0x1000, s2  }
0x7: {  	s1 =	rddreg [dreg:$0x2];
	_ =	strace $0x8000004A;
	s7 =	sand.u32 $0xF80, s6  }
0x8: {  	s4 =	sshll.u32 s4, $0xB;
	p0 =	sne.s32 s7, $0x0;
	s7 =	simm.s32 $0x1  }
.Ltmp0:
0x9: {  	s6 =	sshrl.u32 s6, $0xC;
	s7 =	simm.s32 @!p0 $0x0;
	(pc) =	sbr.rel .LBB1_1-.Ltmp0, $4  }
0xa: {  	s8 =	sadd.s32 s4, s5;
	s4 =	simm.s32 $0x1;
	s30 =	sadd.s32 s7, s6  }
0xb: {  	s11 =	simm.s32 $0x0;
	[sflag:s4] =	ssyncpa.u1 $0x0;
	s5 =	smul.u32 $0x64, s30  }
0xc: {  	s12 =	simm.s32 $0x0;
	[sflag:s31] =	ssyncpa.u1 $0x0;
	p0 =	por $0x0, $0x0  }
0xd: {  	s6 =	sadd.s32 $0xA00, s8;
	s7 =	sadd.s32 $0x10A00, s8;
	s8 =	sor.u32 $0x1, s5  }
.LBB1_7:
0xe: {  	s15 =	sadd.s32 $0x2, s11  }
0xf: {  	p2 =	sgt.s32 s15, $0xC7  }
0x10: {  	s15 =	simm.s32 @p2 $0x0;
	p2 =	sne.s32 s12, s8  }
.Ltmp1:
0x11: {  	p1 =	slt.u32 s12, $0x2;
	(pc) =	sbr.rel @!p2 .LBB1_8-.Ltmp1, $4  }
0x12: {  	s13 =	simm.s32 @!p1 $0x2  }
0x13: {  	s16 =	sadd.s32 $0x1, s12;
	s14 =	smov.u32 s11;
	_ =	swait.ge @!p1 [sflag:s13], $0x4000  }
0x14: {  	p0 =	por !p0, !p0;
	s12 =	smov.u32 s16;
	[sflag:s13] =	ssyncset.done @!p1 $0x0  }
0x15: {  	s11 =	smov.u32 s15;
	[sflag:s13] =	ssyncadd.s32 @!p1 $0xFFFFC000;
	s13 =	smov.u32 s2  }
.LBB1_1:
0x16: {  	p1 =	sge.u32 s12, s5  }
0x17: {  	s15 =	sxor.u32 @!p1 $0xFFFFFFFF, s12  }
0x18: {  	s16 =	sshll.u32 @!p1 s11, $0x10;
	s18 =	simm.s32 @!p1 $0x40;
	s15 =	sshll.u32 @!p1 s15, $0xE  }
0x19: {  	s19 =	simm.s32 @!p1 $0x80;
	s17 =	sadd.s32 @!p1 s16, s6;
	s15 =	sand.u32 @!p1 $0x4000, s15  }
0x1a: {  	[tilespmem:s15], [sflag:$0x1] =	stream.strided.gather @!p1 [hbm4b:s17+s18], $0x2000, s19, s18, $0x38;
	[tilespmem:$0x10100] =	vst v63  }
0x1b: {  	s31 =	sadd.s32 $0xFFFFFFFF, s12;
	s16 =	sadd.s32 @!p1 s16, s7;
	s15 =	sor.u32 @!p1 $0x2000, s15  }
0x1c: {  	[tilespmem:s15], [sflag:$0x1] =	stream.strided.gather @!p1 [hbm4b:s16+s18], $0x2000, s19, s18, $0x38;
	[tilespmem:$0x10100] =	vst v63  }
0x1d: {  	p1 =	sge.u32 s31, s5  }
.Ltmp2:
0x1e: {  	_ = 	snop;
	(pc) =	sbr.rel @p1 .LBB1_7-.Ltmp2, $1  }
0x1f: {  	_ =	sdelay $0x3  }
0x20: {  	s15 =	simm.s32 $0x1;
	s17 =	sand.u32 $0x1, s12  }
0x21: {  	_ =	swait.ge [sflag:s4], $0x4000;
	s15 =	simm.s32 @!p0 $0x0;
	s17 =	smul.u32 $0x10200, s17  }
0x22: {  	p2 =	por $0x1, $0x1;
	[sflag:s4] =	ssyncset.done $0x0;
	s16 =	smul.u32 $0x10200, s15  }
0x23: {  	s18 =	sshll.u32 s15, $0x10;
	[sflag:s4] =	ssyncadd.s32 $0xFFFFC000;
	s30 =	sshrl.u32 s17, $0x2  }
0x24: {  	s31 =	sshrl.u32 s18, $0x2;
	s18 =	simm.s32 $0x0;
	s16 =	sshrl.u32 s16, $0x2  }
0x25: {  	s15 =	sor.u32 $0x8000, s30;
	s17 =	sadd.s32 $0x20, s31;
	s16 =	sor.u32 $0x8000, s16  }
.LBB1_3:
0x26: {  	s19 =	sshll.u32 s18, $0xD  }
0x27: {  	s19 =	sand.u32 $0x3FFFE000, s19  }
0x28: {  	s21 =	sadd.s32 s19, s17  }
0x29: {  	s31 =	smul.u32 $0x8100, s18;
	v3 =	vld [tilespmem:s21+$0x10]  }
0x2a: {  	v1 =	vld [tilespmem:s21+$0xFFFFFFF0]  }
0x2b: {  	s18 =	sshra.s32 s31, $0x2;
	v0 =	vld [tilespmem:s21+$0x0]  }
0x2c: {  	s18 =	sadd.s32 s18, s16;
	v2 =	vld [tilespmem:s21+$0xFFFFFFE0]  }
0x2d: {  	s19 =	sadd.s32 $0x0, s18  }
0x2e: {  	p1 =	por p2, p2;
	s20 =	simm.s32 $0x4;
	s21 =	sadd.s32 $0x40, s21;
	[tilespmem:s19+$0x1830 ss:$0x81] =	vst.msk $0xffff, v3  }
.LBB1_4:
0x2f: {  	v3 =	vld [tilespmem:s21+$0x10];
	p2 =	sne.s32 s20, $0x1FC;
	[tilespmem:s19+$0x810 ss:$0x81] =	vst.msk $0xffff, v1;
	s22 =	smov.u32 s20;
	s20 =	sadd.s32 $0x4, s20  }
.Ltmp3:
0x30: {  	v1 =	vld [tilespmem:s21+$0xFFFFFFF0];
	[tilespmem:s19+$0x1020 ss:$0x81] =	vst.msk $0xffff, v0;
	(pc) =	sbr.rel @p2 .LBB1_4-.Ltmp3, $4  }
0x31: {  	v0 =	vld [tilespmem:s21+$0x0];
	[tilespmem:s19+$0x0 ss:$0x81] =	vst.msk $0xffff, v2  }
0x32: {  	s19 =	sshra.s32 s22, $0x2;
	v2 =	vld [tilespmem:s21+$0xFFFFFFE0]  }
0x33: {  	s19 =	sadd.s32 s19, s18  }
0x34: {  	s21 =	sadd.s32 $0x40, s21;
	[tilespmem:s19+$0x1830 ss:$0x81] =	vst.msk $0xffff, v3  }
.Ltmp4:
0x35: {  	(pc) =	sbr.rel @p1 .LBB1_3-.Ltmp4, $4  }
0x36: {  	_ = 	snop  }
0x37: {  	[tilespmem:s19+$0x810 ss:$0x81] =	vst.msk $0xffff, v1  }
0x38: {  	[tilespmem:s19+$0x1020 ss:$0x81] =	vst.msk $0xffff, v0  }
0x39: {  	s18 =	simm.s32 $0x1;
	p2 =	por $0x0, $0x0;
	[tilespmem:s19+$0x0 ss:$0x81] =	vst.msk $0xffff, v2  }
.Ltmp5:
0x3a: {  	(pc) =	sbr.rel .LBB1_7-.Ltmp5, $4  }
0x3b: {  	s14 =	sshll.u32 s14, $0xF  }
0x3c: {  	s14 =	sadd.s32 s3, s14  }
0x3d: {  	s13 =	sadd.s32 s13, s14  }
0x3e: {  	[hbm4b:s13+s9] =	stream.strided.scatter [tilespmem:s15], [sflag:$0x2], $0x4000, s10, s9, $0x20;
	[tilespmem:$0x10100] =	vst v63  }
.LBB1_8:
0x3f: {  	_ =	sfence.sel $0x180000  }
0x40: {  	s2 =	simm.s32 $0x1;
	[bflag:$0x0] =	sbarrier.arrive $0xFFFF  }
0x41: {  	s31 =	simm.s32 $0x2;
	[sflag:s2] =	ssyncpa.u1 $0x1  }
0x42: {  	[sflag:s31] =	ssyncpa.u1 $0x1  }
0x43: {  	p0 =	sne.s32 s0, $0x0;
	_ =	strace $0x9000004A  }
0x44: {  	s0 =	sadd.s32 @!p0 $0x100000, s1;
	[bflag:$0x2] =	sbarrier.arrive $0xFFFF  }
0x45: {  	[sflag:s0] =	ssyncadd.tile.s32 @!p0 $0x1;
	_ =	shalt  }
.Lfunc_end1:
_tile_overlayer_lowered:
.L_overlay_start_2:
0x46: {  	(tag) =	ssettag $0x2  }
0x47: {  	s0 =	rddreg [dreg:$0x0];
	s2 =	stileid.u32  }
0x48: {  	s1 =	rddreg [dreg:$0x1];
	p0 =	sne.s32 s2, $0x0  }
0x49: {  	s3 =	rddreg [dreg:$0x2];
	[bflag:$0x3] =	sbarrier.arrive $0xFFFF;
	s2 =	simm.s32 @!p0 $0x1C01  }
0x4a: {  	[timem:s3], [sflag:s2] =	dma.local @!p0 [hbm:s0], s1  }
0x4b: {  	s0 =	simm.s32 @!p0 $0x1  }
0x4c: {  	_ =	swait.ge @!p0 [sflag:s0], s1  }
0x4d: {  	s1 =	ssub.s32 @!p0 $0x0, s1;
	[sflag:s0] =	ssyncset.done @!p0 $0x0  }
0x4e: {  	[sflag:s0] =	ssyncadd.s32 @!p0 s1  }
0x4f: {  	[bflag:$0x3] =	sbarrier.arrive $0xFFFF  }
0x50: {  	_ =	shalt  }

</sc_bundles>
